<compile_context>
chip_gen: v7x
topology: tpu7x:2x2x1
jax: 0.10.2.dev20260603
libtpu: 0.0.44.dev20260713+nightly
codegen_flags: <defaults>
</compile_context>

<pallas_src>
import functools

import jax
import jax.numpy as jnp
from jax import lax
from jax.experimental import pallas as pl
from jax.experimental.pallas import tpu as pltpu
from jax.experimental.pallas import tpu_sc as plsc

N = 10000
E = 320000
D = 128
NT = 32
BKT = 313
EB = 2000
NB = E // EB
CAP = 2064
G = 64


def _pre_body(v_ref, pz_ref, wgm_ref, m8_ref, tbl_ref, scal_ref):
    vb = v_ref[...]
    gp = lax.dot_general(vb, wgm_ref[...], (((1,), (1,)), ((), ())),
                         preferred_element_type=jnp.float32)
    tbl_ref[:, 0:D] = pz_ref[...]
    tbl_ref[:, D:2 * D] = gp
    scal_ref[...] = lax.dot_general(vb, m8_ref[...], (((1,), (1,)), ((), ())),
                                    preferred_element_type=jnp.float32)


def _post_body(pz_ref, h_ref, mx_ref, es_ref, dg_ref, vs_ref, vl_ref, gm_ref,
               out_ref):
    es = jnp.maximum(es_ref[...], 1e-16)
    dg = dg_ref[...]
    h = h_ref[...] / es
    mx = jnp.where(dg > 0.0, mx_ref[...], 0.0)
    mdot = jnp.sum(mx * gm_ref[...], axis=1, keepdims=True)
    mean_r = vs_ref[...] / jnp.maximum(dg, 1.0)
    gfc = vl_ref[...] + mdot + mean_r
    out_ref[...] = pz_ref[...] + jax.nn.sigmoid(gfc) * h


def _sc_body(src_hbm, dst_hbm, el_hbm, vr_hbm, ert_hbm, tbl_hbm,
             h_out, mx_out, es_out, dg_out, vs_out,
             h_acc, mx_acc, esum, deg, vrs, el_t, vr_t, er_own,
             sblk, dblk, srcc, dstc, exc, rows):
    wid = lax.axis_index("s") * 2 + lax.axis_index("c")
    pltpu.sync_copy(el_hbm, el_t)
    pltpu.sync_copy(vr_hbm, vr_t)
    pltpu.sync_copy(ert_hbm.at[wid], er_own)

    zf = jnp.zeros((16,), jnp.float32)
    zi = jnp.zeros((16,), jnp.int32)
    ninf = jnp.full((16,), -3.4e38, jnp.float32)
    ones = jnp.ones((16,), jnp.float32)

    @pl.loop(0, BKT)
    def _(r):
        @pl.loop(0, D, step=16, unroll=True)
        def _(c):
            h_acc[r, pl.ds(c, 16)] = zf
            mx_acc[r, pl.ds(c, 16)] = ninf

    @pl.loop(0, 320, step=16)
    def _(i):
        esum[pl.ds(i, 16)] = zf
        deg[pl.ds(i, 16)] = zf
        vrs[pl.ds(i, 16)] = zf

    @pl.loop(0, CAP, step=16)
    def _(i):
        srcc[pl.ds(i, 16)] = zi
        dstc[pl.ds(i, 16)] = zi

    lanes = lax.iota(jnp.int32, 16)

    @pl.loop(0, NB)
    def _(blk):
        off = blk * EB
        pltpu.sync_copy(src_hbm.at[pl.ds(off, EB)], sblk)
        pltpu.sync_copy(dst_hbm.at[pl.ds(off, EB)], dblk)

        @pl.loop(0, EB, step=16, init_carry=jnp.int32(0))
        def filt(i, cnt):
            dvec = dblk[pl.ds(i, 16)]
            m = (dvec & 31) == wid
            svec = sblk[pl.ds(i, 16)]
            lv = jax.lax.shift_right_logical(dvec, 5)
            plsc.store_compressed(srcc.at[pl.ds(cnt, 16)], svec, mask=m)
            plsc.store_compressed(dstc.at[pl.ds(cnt, 16)], lv, mask=m)
            c = plsc.all_reduce_population_count(m)
            return cnt + c[0]

        cnt = filt
        nch = (cnt + G - 1) >> 6

        @pl.loop(0, nch)
        def _(q):
            cbase = q * G
            pltpu.sync_copy(tbl_hbm.at[srcc.at[pl.ds(cbase, G)]], rows)

            @pl.loop(0, G, step=16)
            def _(s):
                base = cbase + s
                svec = srcc[pl.ds(base, 16)]
                lvec = dstc[pl.ds(base, 16)]
                els = plsc.load_gather(el_t, [svec])
                erd = plsc.load_gather(er_own, [lvec])
                e = els + erd
                e = jnp.maximum(e, e * 0.01)
                ex = jnp.exp(e)
                valid = (base + lanes) < cnt
                plsc.addupdate_scatter(esum, [lvec], ex, mask=valid)
                plsc.addupdate_scatter(deg, [lvec], ones, mask=valid)
                vrv = plsc.load_gather(vr_t, [svec])
                plsc.addupdate_scatter(vrs, [lvec], vrv, mask=valid)
                exc[pl.ds(s, 16)] = ex

            rem = jnp.clip(cnt - cbase, 0, G)

            @pl.loop(0, rem)
            def _(e2):
                li = dstc[pl.ds(cbase + e2, 16)][0]
                exe = exc[pl.ds(e2, 16)][0]
                for j in range(D // 16):
                    c0 = j * 16
                    h_acc[li, pl.ds(c0, 16)] = (
                        h_acc[li, pl.ds(c0, 16)]
                        + exe * rows[e2, pl.ds(c0, 16)])
                    mx_acc[li, pl.ds(c0, 16)] = jnp.maximum(
                        mx_acc[li, pl.ds(c0, 16)],
                        rows[e2, pl.ds(D + c0, 16)])

    pltpu.sync_copy(h_acc, h_out.at[wid])
    pltpu.sync_copy(mx_acc, mx_out.at[wid])
    pltpu.sync_copy(esum, es_out.at[wid])
    pltpu.sync_copy(deg, dg_out.at[wid])
    pltpu.sync_copy(vrs, vs_out.at[wid])


@jax.jit
def kernel(v, proj_z, edge_index, Wa, att_l, att_r, gate_l, gate_m, gate_r, Wgm):
    al2 = att_l @ Wa
    ar2 = att_r @ Wa
    m8 = jnp.concatenate(
        [al2, ar2, gate_r, gate_l, jnp.zeros((4, D), jnp.float32)], axis=0)

    nblk = 10
    rows_per = N // nblk
    tbl, scal = pl.pallas_call(
        _pre_body,
        grid=(nblk,),
        in_specs=[
            pl.BlockSpec((rows_per, D), lambda i: (i, 0)),
            pl.BlockSpec((rows_per, D), lambda i: (i, 0)),
            pl.BlockSpec((D, D), lambda i: (0, 0)),
            pl.BlockSpec((8, D), lambda i: (0, 0)),
        ],
        out_specs=[
            pl.BlockSpec((rows_per, 2 * D), lambda i: (i, 0)),
            pl.BlockSpec((rows_per, 8), lambda i: (i, 0)),
        ],
        out_shape=[
            jax.ShapeDtypeStruct((N, 2 * D), jnp.float32),
            jax.ShapeDtypeStruct((N, 8), jnp.float32),
        ],
    )(v, proj_z, Wgm, m8)

    el = scal[:, 0]
    er = scal[:, 1]
    vr = scal[:, 2]
    vl = scal[:, 3:4]
    src = edge_index[0]
    dst = edge_index[1]

    erp = jnp.pad(er, (0, NT * BKT - N)).reshape(BKT, NT).T
    ert = jnp.pad(erp, ((0, 0), (0, 320 - BKT)))

    mesh = plsc.VectorSubcoreMesh(core_axis_name="c", subcore_axis_name="s")
    sc = pl.kernel(
        _sc_body,
        compiler_params=pltpu.CompilerParams(needs_layout_passes=False),
        out_type=[
            jax.ShapeDtypeStruct((NT, BKT, D), jnp.float32),
            jax.ShapeDtypeStruct((NT, BKT, D), jnp.float32),
            jax.ShapeDtypeStruct((NT, 320), jnp.float32),
            jax.ShapeDtypeStruct((NT, 320), jnp.float32),
            jax.ShapeDtypeStruct((NT, 320), jnp.float32),
        ],
        mesh=mesh,
        scratch_types=[
            pltpu.VMEM((BKT, D), jnp.float32),
            pltpu.VMEM((BKT, D), jnp.float32),
            pltpu.VMEM((320,), jnp.float32),
            pltpu.VMEM((320,), jnp.float32),
            pltpu.VMEM((320,), jnp.float32),
            pltpu.VMEM((N,), jnp.float32),
            pltpu.VMEM((N,), jnp.float32),
            pltpu.VMEM((320,), jnp.float32),
            pltpu.VMEM((EB,), jnp.int32),
            pltpu.VMEM((EB,), jnp.int32),
            pltpu.VMEM((CAP,), jnp.int32),
            pltpu.VMEM((CAP,), jnp.int32),
            pltpu.VMEM((80,), jnp.float32),
            pltpu.VMEM((G, 2 * D), jnp.float32),
        ],
    )
    h_out, mx_out, es_out, dg_out, vs_out = sc(src, dst, el, vr, ert, tbl)

    h_full = h_out.transpose(1, 0, 2).reshape(NT * BKT, D)[:N]
    mx_full = mx_out.transpose(1, 0, 2).reshape(NT * BKT, D)[:N]
    es_full = es_out[:, :BKT].T.reshape(NT * BKT)[:N, None]
    dg_full = dg_out[:, :BKT].T.reshape(NT * BKT)[:N, None]
    vs_full = vs_out[:, :BKT].T.reshape(NT * BKT)[:N, None]

    out = pl.pallas_call(
        _post_body,
        grid=(nblk,),
        in_specs=[
            pl.BlockSpec((rows_per, D), lambda i: (i, 0)),
            pl.BlockSpec((rows_per, D), lambda i: (i, 0)),
            pl.BlockSpec((rows_per, D), lambda i: (i, 0)),
            pl.BlockSpec((rows_per, 1), lambda i: (i, 0)),
            pl.BlockSpec((rows_per, 1), lambda i: (i, 0)),
            pl.BlockSpec((rows_per, 1), lambda i: (i, 0)),
            pl.BlockSpec((rows_per, 1), lambda i: (i, 0)),
            pl.BlockSpec((1, D), lambda i: (0, 0)),
        ],
        out_specs=pl.BlockSpec((rows_per, D), lambda i: (i, 0)),
        out_shape=jax.ShapeDtypeStruct((N, D), jnp.float32),
    )(proj_z, h_full, mx_full, es_full, dg_full, vs_full, vl, gate_m)
    return out

# --- scband reference (transcript-rebuilt; emitter-appended) ---
"""Pipeline reference for scband-cga-anlayer-34883724378281 (READ-ONLY COPY).

The authoritative reference and input builder live on the scoring server;
editing this copy changes nothing except your own understanding.
"""

import jax, jax.numpy as jnp
import numpy as np

N = 10000
E = 320000
IN_DIM = 128
OUT_DIM = 128


def setup_inputs(seed: int = 0) -> dict:
    key = jax.random.key(seed)
    ks = jax.random.split(key, 10)
    v = jax.random.normal(ks[0], (N, IN_DIM), dtype=jnp.float32)
    proj_z = jax.random.normal(ks[1], (N, OUT_DIM), dtype=jnp.float32)
    edge_index = jax.random.randint(ks[2], (2, E), 0, N, dtype=jnp.int32)
    # learned parameters (xavier-like scale)
    Wa = jax.random.normal(ks[3], (OUT_DIM, IN_DIM), dtype=jnp.float32) * (1.0 / np.sqrt(IN_DIM))
    att_l = jax.random.normal(ks[4], (1, OUT_DIM), dtype=jnp.float32) * (1.0 / np.sqrt(OUT_DIM))
    att_r = jax.random.normal(ks[5], (1, OUT_DIM), dtype=jnp.float32) * (1.0 / np.sqrt(OUT_DIM))
    gate_l = jax.random.normal(ks[6], (1, IN_DIM), dtype=jnp.float32) * (1.0 / np.sqrt(IN_DIM))
    gate_m = jax.random.normal(ks[7], (1, OUT_DIM), dtype=jnp.float32) * (1.0 / np.sqrt(OUT_DIM))
    gate_r = jax.random.normal(ks[8], (1, IN_DIM), dtype=jnp.float32) * (1.0 / np.sqrt(IN_DIM))
    Wgm = jax.random.normal(ks[9], (OUT_DIM, IN_DIM), dtype=jnp.float32) * (1.0 / np.sqrt(IN_DIM))
    return {"v": v, "proj_z": proj_z, "edge_index": edge_index, "Wa": Wa,
            "att_l": att_l, "att_r": att_r, "gate_l": gate_l, "gate_m": gate_m,
            "gate_r": gate_r, "Wgm": Wgm}


def reference(v, proj_z, edge_index, Wa, att_l, att_r, gate_l, gate_m, gate_r, Wgm):
    src = edge_index[0]
    dst = edge_index[1]
    n = v.shape[0]
    # attention: z = Wa(v); e = leaky_relu(att_l(z_src) + att_r(z_dst))
    z = v @ Wa.T                                   # [N, OUT]
    el = (z @ att_l.T)[:, 0]                       # [N]
    er = (z @ att_r.T)[:, 0]                       # [N]
    e = jax.nn.leaky_relu(el[src] + er[dst], negative_slope=0.01)  # [E]
    # segment softmax over incoming edges of each dst node
    emax = jax.ops.segment_max(e, dst, num_segments=n)
    emax = jnp.where(jnp.isneginf(emax), 0.0, emax)
    ex = jnp.exp(e - emax[dst])
    esum = jax.ops.segment_sum(ex, dst, num_segments=n)
    alpha = ex / jnp.maximum(esum[dst], 1e-16)
    # (dropout p=0.1 on alpha omitted for deterministic reference)
    h = jax.ops.segment_sum(alpha[:, None] * proj_z[src], dst, num_segments=n)  # [N, OUT]
    # gate: max over Wgm(v_src), mean over v_src, per dst node
    gate_proj = v[src] @ Wgm.T                     # [E, OUT]
    max_feat = jax.ops.segment_max(gate_proj, dst, num_segments=n)
    max_feat = jnp.where(jnp.isneginf(max_feat), 0.0, max_feat)
    deg = jax.ops.segment_sum(jnp.ones((src.shape[0],), jnp.float32), dst, num_segments=n)
    mean_feat = jax.ops.segment_sum(v[src], dst, num_segments=n) / jnp.maximum(deg, 1.0)[:, None]
    g_fc = v @ gate_l.T + max_feat @ gate_m.T + mean_feat @ gate_r.T   # [N, 1]
    g_val = jax.nn.sigmoid(g_fc)
    h = g_val * h
    return proj_z + h

if __name__ == "__main__":
    import jax
    _d = setup_inputs()
    print(jax.jit(kernel)(*tuple(_d.values())))

</pallas_src>

<mosaic_0001>
#map = affine_map<(d0, d1) -> (0)>
#map1 = affine_map<(d0, d1) -> (0, 0)>
#map2 = affine_map<(d0, d1) -> (0, 0, 0)>
module attributes {stable_mosaic.version = 14 : i64} {
  func.func @_sc_body(%arg0: i32, %arg1: i32, %arg2: memref<320000xi32, #tpu.memory_space<hbm>>, %arg3: memref<320000xi32, #tpu.memory_space<hbm>>, %arg4: memref<10000xf32, #tpu.memory_space<hbm>>, %arg5: memref<10000xf32, #tpu.memory_space<hbm>>, %arg6: memref<32x320xf32, #tpu.memory_space<hbm>>, %arg7: memref<10000x256xf32, #tpu.memory_space<hbm>>, %arg8: memref<32x313x128xf32, #tpu.memory_space<hbm>>, %arg9: memref<32x313x128xf32, #tpu.memory_space<hbm>>, %arg10: memref<32x320xf32, #tpu.memory_space<hbm>>, %arg11: memref<32x320xf32, #tpu.memory_space<hbm>>, %arg12: memref<32x320xf32, #tpu.memory_space<hbm>>, %arg13: memref<313x128xf32, #tpu.memory_space<vmem>>, %arg14: memref<313x128xf32, #tpu.memory_space<vmem>>, %arg15: memref<320xf32, #tpu.memory_space<vmem>>, %arg16: memref<320xf32, #tpu.memory_space<vmem>>, %arg17: memref<320xf32, #tpu.memory_space<vmem>>, %arg18: memref<10000xf32, #tpu.memory_space<vmem>>, %arg19: memref<10000xf32, #tpu.memory_space<vmem>>, %arg20: memref<320xf32, #tpu.memory_space<vmem>>, %arg21: memref<2000xi32, #tpu.memory_space<vmem>>, %arg22: memref<2000xi32, #tpu.memory_space<vmem>>, %arg23: memref<2064xi32, #tpu.memory_space<vmem>>, %arg24: memref<2064xi32, #tpu.memory_space<vmem>>, %arg25: memref<80xf32, #tpu.memory_space<vmem>>, %arg26: memref<64x256xf32, #tpu.memory_space<vmem>>) attributes {dimension_semantics = [#tpu.dimension_semantics<core_parallel>, #tpu.dimension_semantics<subcore_parallel>], iteration_bounds = array<i64: 2, 16>, scalar_prefetch = 0 : i64, scratch_operands = 14 : i64, tpu.core_type = #tpu.core_type<sc_vector_subcore>, window_params = [{transform_indices = #map}, {transform_indices = #map}, {transform_indices = #map}, {transform_indices = #map}, {transform_indices = #map1}, {transform_indices = #map1}, {transform_indices = #map2}, {transform_indices = #map2}, {transform_indices = #map1}, {transform_indices = #map1}, {transform_indices = #map1}]} {
    %mul3A = arith.constant 2 : i32
    %mul3A_0 = arith.muli %arg1, %mul3A : i32
    %add3A = arith.addi %mul3A_0, %arg0 : i32
    "tpu.region"() ({
      %run_scoped3A = tpu.sem_alloc : memref<!tpu.dma_semaphore, #tpu.memory_space<semaphore_mem>>
      tpu.enqueue_dma source(%arg4 : memref<10000xf32, #tpu.memory_space<hbm>>) target(%arg18 : memref<10000xf32, #tpu.memory_space<vmem>>) target_semaphore(%run_scoped3A : memref<!tpu.dma_semaphore, #tpu.memory_space<semaphore_mem>>)
      tpu.wait_dma2 semaphore(%run_scoped3A : memref<!tpu.dma_semaphore, #tpu.memory_space<semaphore_mem>>) src(%arg4 : memref<10000xf32, #tpu.memory_space<hbm>>) dst(%arg18 : memref<10000xf32, #tpu.memory_space<vmem>>)
      tpu.yield
    }) : () -> ()
    "tpu.region"() ({
      %run_scoped3A = tpu.sem_alloc : memref<!tpu.dma_semaphore, #tpu.memory_space<semaphore_mem>>
      tpu.enqueue_dma source(%arg5 : memref<10000xf32, #tpu.memory_space<hbm>>) target(%arg19 : memref<10000xf32, #tpu.memory_space<vmem>>) target_semaphore(%run_scoped3A : memref<!tpu.dma_semaphore, #tpu.memory_space<semaphore_mem>>)
      tpu.wait_dma2 semaphore(%run_scoped3A : memref<!tpu.dma_semaphore, #tpu.memory_space<semaphore_mem>>) src(%arg5 : memref<10000xf32, #tpu.memory_space<hbm>>) dst(%arg19 : memref<10000xf32, #tpu.memory_space<vmem>>)
      tpu.yield
    }) : () -> ()
    "tpu.region"() ({
      %run_scoped3A = tpu.sem_alloc : memref<!tpu.dma_semaphore, #tpu.memory_space<semaphore_mem>>
      %dma_start3A = arith.constant 0 : i32
      %dma_start3A_27 = tpu.memref_slice %arg6[%add3A, %dma_start3A] : memref<32x320xf32, #tpu.memory_space<hbm>> -> memref<1x320xf32, #tpu.memory_space<hbm>>
      %dma_start3A_28 = tpu.memref_squeeze %dma_start3A_27 : memref<1x320xf32, #tpu.memory_space<hbm>> -> memref<320xf32, #tpu.memory_space<hbm>>
      %dma_start3A_29 = arith.constant 0 : i32
      %dma_start3A_30 = tpu.memref_slice %arg6[%add3A, %dma_start3A_29] : memref<32x320xf32, #tpu.memory_space<hbm>> -> memref<1x320xf32, #tpu.memory_space<hbm>>
      %dma_start3A_31 = tpu.memref_squeeze %dma_start3A_30 : memref<1x320xf32, #tpu.memory_space<hbm>> -> memref<320xf32, #tpu.memory_space<hbm>>
      tpu.enqueue_dma source(%dma_start3A_31 : memref<320xf32, #tpu.memory_space<hbm>>) target(%arg20 : memref<320xf32, #tpu.memory_space<vmem>>) target_semaphore(%run_scoped3A : memref<!tpu.dma_semaphore, #tpu.memory_space<semaphore_mem>>)
      %dma_wait3A = arith.constant 0 : i32
      %dma_wait3A_32 = tpu.memref_slice %arg6[%add3A, %dma_wait3A] : memref<32x320xf32, #tpu.memory_space<hbm>> -> memref<1x320xf32, #tpu.memory_space<hbm>>
      %dma_wait3A_33 = tpu.memref_squeeze %dma_wait3A_32 : memref<1x320xf32, #tpu.memory_space<hbm>> -> memref<320xf32, #tpu.memory_space<hbm>>
      %dma_wait3A_34 = arith.constant 0 : i32
      %dma_wait3A_35 = tpu.memref_slice %arg6[%add3A, %dma_wait3A_34] : memref<32x320xf32, #tpu.memory_space<hbm>> -> memref<1x320xf32, #tpu.memory_space<hbm>>
      %dma_wait3A_36 = tpu.memref_squeeze %dma_wait3A_35 : memref<1x320xf32, #tpu.memory_space<hbm>> -> memref<320xf32, #tpu.memory_space<hbm>>
      tpu.wait_dma2 semaphore(%run_scoped3A : memref<!tpu.dma_semaphore, #tpu.memory_space<semaphore_mem>>) src(%dma_wait3A_36 : memref<320xf32, #tpu.memory_space<hbm>>) dst(%arg20 : memref<320xf32, #tpu.memory_space<vmem>>)
      tpu.yield
    }) : () -> ()
    %broadcast_in_dim3A = arith.constant 0.000000e+00 : f32
    %broadcast_in_dim3A_1 = vector.broadcast %broadcast_in_dim3A : f32 to vector<16xf32>
    %broadcast_in_dim3A_2 = arith.constant 0 : i32
    %broadcast_in_dim3A_3 = vector.broadcast %broadcast_in_dim3A_2 : i32 to vector<16xi32>
    %broadcast_in_dim3A_4 = arith.constant -3.400000e+38 : f32
    %broadcast_in_dim3A_5 = vector.broadcast %broadcast_in_dim3A_4 : f32 to vector<16xf32>
    %broadcast_in_dim3A_6 = arith.constant 1.000000e+00 : f32
    %broadcast_in_dim3A_7 = vector.broadcast %broadcast_in_dim3A_6 : f32 to vector<16xf32>
    %scan3A = arith.constant 0 : i32
    %scan3A_8 = arith.constant 313 : i32
    %scan3A_9 = arith.addi %scan3A, %scan3A_8 : i32
    %scan3A_10 = arith.constant 1 : i32
    scf.for %scan3A_27 = %scan3A to %scan3A_9 step %scan3A_10  : i32 {
      %mul3A_28 = arith.constant 1 : i32
      %mul3A_29 = arith.muli %scan3A_27, %mul3A_28 : i32
      %add3A_30 = arith.constant 0 : i32
      %add3A_31 = arith.addi %add3A_30, %mul3A_29 : i32
      %scan3A_32 = arith.constant 0 : i32
      %mul3A_33 = arith.constant 16 : i32
      %mul3A_34 = arith.muli %scan3A_32, %mul3A_33 : i32
      %add3A_35 = arith.constant 0 : i32
      %add3A_36 = arith.addi %add3A_35, %mul3A_34 : i32
      %swap3A = arith.index_cast %add3A_31 : i32 to index
      %swap3A_37 = arith.index_cast %add3A_36 : i32 to index
      %swap3A_38 = tpu.vector_load %arg13[%swap3A, %swap3A_37] {strides = array<i32>} : memref<313x128xf32, #tpu.memory_space<vmem>>, vector<16xf32>,
      tpu.vector_store %arg13[%swap3A, %swap3A_37], %broadcast_in_dim3A_1 {strides = array<i32>} : memref<313x128xf32, #tpu.memory_space<vmem>>, vector<16xf32>,
      %swap3A_39 = arith.index_cast %add3A_31 : i32 to index
      %swap3A_40 = arith.index_cast %add3A_36 : i32 to index
      %swap3A_41 = tpu.vector_load %arg14[%swap3A_39, %swap3A_40] {strides = array<i32>} : memref<313x128xf32, #tpu.memory_space<vmem>>, vector<16xf32>,
      tpu.vector_store %arg14[%swap3A_39, %swap3A_40], %broadcast_in_dim3A_5 {strides = array<i32>} : memref<313x128xf32, #tpu.memory_space<vmem>>, vector<16xf32>,
      %scan3A_42 = arith.constant 1 : i32
      %mul3A_43 = arith.constant 16 : i32
      %mul3A_44 = arith.muli %scan3A_42, %mul3A_43 : i32
      %add3A_45 = arith.constant 0 : i32
      %add3A_46 = arith.addi %add3A_45, %mul3A_44 : i32
      %swap3A_47 = arith.index_cast %add3A_31 : i32 to index
      %swap3A_48 = arith.index_cast %add3A_46 : i32 to index
      %swap3A_49 = tpu.vector_load %arg13[%swap3A_47, %swap3A_48] {strides = array<i32>} : memref<313x128xf32, #tpu.memory_space<vmem>>, vector<16xf32>,
      tpu.vector_store %arg13[%swap3A_47, %swap3A_48], %broadcast_in_dim3A_1 {strides = array<i32>} : memref<313x128xf32, #tpu.memory_space<vmem>>, vector<16xf32>,
      %swap3A_50 = arith.index_cast %add3A_31 : i32 to index
      %swap3A_51 = arith.index_cast %add3A_46 : i32 to index
      %swap3A_52 = tpu.vector_load %arg14[%swap3A_50, %swap3A_51] {strides = array<i32>} : memref<313x128xf32, #tpu.memory_space<vmem>>, vector<16xf32>,
      tpu.vector_store %arg14[%swap3A_50, %swap3A_51], %broadcast_in_dim3A_5 {strides = array<i32>} : memref<313x128xf32, #tpu.memory_space<vmem>>, vector<16xf32>,
      %scan3A_53 = arith.constant 2 : i32
      %mul3A_54 = arith.constant 16 : i32
      %mul3A_55 = arith.muli %scan3A_53, %mul3A_54 : i32
      %add3A_56 = arith.constant 0 : i32
      %add3A_57 = arith.addi %add3A_56, %mul3A_55 : i32
      %swap3A_58 = arith.index_cast %add3A_31 : i32 to index
      %swap3A_59 = arith.index_cast %add3A_57 : i32 to index
      %swap3A_60 = tpu.vector_load %arg13[%swap3A_58, %swap3A_59] {strides = array<i32>} : memref<313x128xf32, #tpu.memory_space<vmem>>, vector<16xf32>,
      tpu.vector_store %arg13[%swap3A_58, %swap3A_59], %broadcast_in_dim3A_1 {strides = array<i32>} : memref<313x128xf32, #tpu.memory_space<vmem>>, vector<16xf32>,
      %swap3A_61 = arith.index_cast %add3A_31 : i32 to index
      %swap3A_62 = arith.index_cast %add3A_57 : i32 to index
      %swap3A_63 = tpu.vector_load %arg14[%swap3A_61, %swap3A_62] {strides = array<i32>} : memref<313x128xf32, #tpu.memory_space<vmem>>, vector<16xf32>,
      tpu.vector_store %arg14[%swap3A_61, %swap3A_62], %broadcast_in_dim3A_5 {strides = array<i32>} : memref<313x128xf32, #tpu.memory_space<vmem>>, vector<16xf32>,
      %scan3A_64 = arith.constant 3 : i32
      %mul3A_65 = arith.constant 16 : i32
      %mul3A_66 = arith.muli %scan3A_64, %mul3A_65 : i32
      %add3A_67 = arith.constant 0 : i32
      %add3A_68 = arith.addi %add3A_67, %mul3A_66 : i32
      %swap3A_69 = arith.index_cast %add3A_31 : i32 to index
      %swap3A_70 = arith.index_cast %add3A_68 : i32 to index
      %swap3A_71 = tpu.vector_load %arg13[%swap3A_69, %swap3A_70] {strides = array<i32>} : memref<313x128xf32, #tpu.memory_space<vmem>>, vector<16xf32>,
      tpu.vector_store %arg13[%swap3A_69, %swap3A_70], %broadcast_in_dim3A_1 {strides = array<i32>} : memref<313x128xf32, #tpu.memory_space<vmem>>, vector<16xf32>,
      %swap3A_72 = arith.index_cast %add3A_31 : i32 to index
      %swap3A_73 = arith.index_cast %add3A_68 : i32 to index
      %swap3A_74 = tpu.vector_load %arg14[%swap3A_72, %swap3A_73] {strides = array<i32>} : memref<313x128xf32, #tpu.memory_space<vmem>>, vector<16xf32>,
      tpu.vector_store %arg14[%swap3A_72, %swap3A_73], %broadcast_in_dim3A_5 {strides = array<i32>} : memref<313x128xf32, #tpu.memory_space<vmem>>, vector<16xf32>,
      %scan3A_75 = arith.constant 4 : i32
      %mul3A_76 = arith.constant 16 : i32
      %mul3A_77 = arith.muli %scan3A_75, %mul3A_76 : i32
      %add3A_78 = arith.constant 0 : i32
      %add3A_79 = arith.addi %add3A_78, %mul3A_77 : i32
      %swap3A_80 = arith.index_cast %add3A_31 : i32 to index
      %swap3A_81 = arith.index_cast %add3A_79 : i32 to index
      %swap3A_82 = tpu.vector_load %arg13[%swap3A_80, %swap3A_81] {strides = array<i32>} : memref<313x128xf32, #tpu.memory_space<vmem>>, vector<16xf32>,
      tpu.vector_store %arg13[%swap3A_80, %swap3A_81], %broadcast_in_dim3A_1 {strides = array<i32>} : memref<313x128xf32, #tpu.memory_space<vmem>>, vector<16xf32>,
      %swap3A_83 = arith.index_cast %add3A_31 : i32 to index
      %swap3A_84 = arith.index_cast %add3A_79 : i32 to index
      %swap3A_85 = tpu.vector_load %arg14[%swap3A_83, %swap3A_84] {strides = array<i32>} : memref<313x128xf32, #tpu.memory_space<vmem>>, vector<16xf32>,
      tpu.vector_store %arg14[%swap3A_83, %swap3A_84], %broadcast_in_dim3A_5 {strides = array<i32>} : memref<313x128xf32, #tpu.memory_space<vmem>>, vector<16xf32>,
      %scan3A_86 = arith.constant 5 : i32
      %mul3A_87 = arith.constant 16 : i32
      %mul3A_88 = arith.muli %scan3A_86, %mul3A_87 : i32
      %add3A_89 = arith.constant 0 : i32
      %add3A_90 = arith.addi %add3A_89, %mul3A_88 : i32
      %swap3A_91 = arith.index_cast %add3A_31 : i32 to index
      %swap3A_92 = arith.index_cast %add3A_90 : i32 to index
      %swap3A_93 = tpu.vector_load %arg13[%swap3A_91, %swap3A_92] {strides = array<i32>} : memref<313x128xf32, #tpu.memory_space<vmem>>, vector<16xf32>,
      tpu.vector_store %arg13[%swap3A_91, %swap3A_92], %broadcast_in_dim3A_1 {strides = array<i32>} : memref<313x128xf32, #tpu.memory_space<vmem>>, vector<16xf32>,
      %swap3A_94 = arith.index_cast %add3A_31 : i32 to index
      %swap3A_95 = arith.index_cast %add3A_90 : i32 to index
      %swap3A_96 = tpu.vector_load %arg14[%swap3A_94, %swap3A_95] {strides = array<i32>} : memref<313x128xf32, #tpu.memory_space<vmem>>, vector<16xf32>,
      tpu.vector_store %arg14[%swap3A_94, %swap3A_95], %broadcast_in_dim3A_5 {strides = array<i32>} : memref<313x128xf32, #tpu.memory_space<vmem>>, vector<16xf32>,
      %scan3A_97 = arith.constant 6 : i32
      %mul3A_98 = arith.constant 16 : i32
      %mul3A_99 = arith.muli %scan3A_97, %mul3A_98 : i32
      %add3A_100 = arith.constant 0 : i32
      %add3A_101 = arith.addi %add3A_100, %mul3A_99 : i32
      %swap3A_102 = arith.index_cast %add3A_31 : i32 to index
      %swap3A_103 = arith.index_cast %add3A_101 : i32 to index
      %swap3A_104 = tpu.vector_load %arg13[%swap3A_102, %swap3A_103] {strides = array<i32>} : memref<313x128xf32, #tpu.memory_space<vmem>>, vector<16xf32>,
      tpu.vector_store %arg13[%swap3A_102, %swap3A_103], %broadcast_in_dim3A_1 {strides = array<i32>} : memref<313x128xf32, #tpu.memory_space<vmem>>, vector<16xf32>,
      %swap3A_105 = arith.index_cast %add3A_31 : i32 to index
      %swap3A_106 = arith.index_cast %add3A_101 : i32 to index
      %swap3A_107 = tpu.vector_load %arg14[%swap3A_105, %swap3A_106] {strides = array<i32>} : memref<313x128xf32, #tpu.memory_space<vmem>>, vector<16xf32>,
      tpu.vector_store %arg14[%swap3A_105, %swap3A_106], %broadcast_in_dim3A_5 {strides = array<i32>} : memref<313x128xf32, #tpu.memory_space<vmem>>, vector<16xf32>,
      %scan3A_108 = arith.constant 7 : i32
      %mul3A_109 = arith.constant 16 : i32
      %mul3A_110 = arith.muli %scan3A_108, %mul3A_109 : i32
      %add3A_111 = arith.constant 0 : i32
      %add3A_112 = arith.addi %add3A_111, %mul3A_110 : i32
      %swap3A_113 = arith.index_cast %add3A_31 : i32 to index
      %swap3A_114 = arith.index_cast %add3A_112 : i32 to index
      %swap3A_115 = tpu.vector_load %arg13[%swap3A_113, %swap3A_114] {strides = array<i32>} : memref<313x128xf32, #tpu.memory_space<vmem>>, vector<16xf32>,
      tpu.vector_store %arg13[%swap3A_113, %swap3A_114], %broadcast_in_dim3A_1 {strides = array<i32>} : memref<313x128xf32, #tpu.memory_space<vmem>>, vector<16xf32>,
      %swap3A_116 = arith.index_cast %add3A_31 : i32 to index
      %swap3A_117 = arith.index_cast %add3A_112 : i32 to index
      %swap3A_118 = tpu.vector_load %arg14[%swap3A_116, %swap3A_117] {strides = array<i32>} : memref<313x128xf32, #tpu.memory_space<vmem>>, vector<16xf32>,
      tpu.vector_store %arg14[%swap3A_116, %swap3A_117], %broadcast_in_dim3A_5 {strides = array<i32>} : memref<313x128xf32, #tpu.memory_space<vmem>>, vector<16xf32>,
      %scan3A_119 = arith.constant 8 : i32
    }
    %scan3A_11 = arith.constant 313 : i32
    %scan3A_12 = arith.constant 0 : i32
    %scan3A_13 = arith.constant 20 : i32
    %scan3A_14 = arith.addi %scan3A_12, %scan3A_13 : i32
    %scan3A_15 = arith.constant 1 : i32
    scf.for %scan3A_27 = %scan3A_12 to %scan3A_14 step %scan3A_15  : i32 {
      %mul3A_28 = arith.constant 16 : i32
      %mul3A_29 = arith.muli %scan3A_27, %mul3A_28 : i32
      %add3A_30 = arith.constant 0 : i32
      %add3A_31 = arith.addi %add3A_30, %mul3A_29 : i32
      %swap3A = arith.index_cast %add3A_31 : i32 to index
      %swap3A_32 = tpu.vector_load %arg15[%swap3A] {strides = array<i32>} : memref<320xf32, #tpu.memory_space<vmem>>, vector<16xf32>,
      tpu.vector_store %arg15[%swap3A], %broadcast_in_dim3A_1 {strides = array<i32>} : memref<320xf32, #tpu.memory_space<vmem>>, vector<16xf32>,
      %swap3A_33 = arith.index_cast %add3A_31 : i32 to index
      %swap3A_34 = tpu.vector_load %arg16[%swap3A_33] {strides = array<i32>} : memref<320xf32, #tpu.memory_space<vmem>>, vector<16xf32>,
      tpu.vector_store %arg16[%swap3A_33], %broadcast_in_dim3A_1 {strides = array<i32>} : memref<320xf32, #tpu.memory_space<vmem>>, vector<16xf32>,
      %swap3A_35 = arith.index_cast %add3A_31 : i32 to index
      %swap3A_36 = tpu.vector_load %arg17[%swap3A_35] {strides = array<i32>} : memref<320xf32, #tpu.memory_space<vmem>>, vector<16xf32>,
      tpu.vector_store %arg17[%swap3A_35], %broadcast_in_dim3A_1 {strides = array<i32>} : memref<320xf32, #tpu.memory_space<vmem>>, vector<16xf32>,
    }
    %scan3A_16 = arith.constant 20 : i32
    %scan3A_17 = arith.constant 0 : i32
    %scan3A_18 = arith.constant 129 : i32
    %scan3A_19 = arith.addi %scan3A_17, %scan3A_18 : i32
    %scan3A_20 = arith.constant 1 : i32
    scf.for %scan3A_27 = %scan3A_17 to %scan3A_19 step %scan3A_20  : i32 {
      %mul3A_28 = arith.constant 16 : i32
      %mul3A_29 = arith.muli %scan3A_27, %mul3A_28 : i32
      %add3A_30 = arith.constant 0 : i32
      %add3A_31 = arith.addi %add3A_30, %mul3A_29 : i32
      %swap3A = arith.index_cast %add3A_31 : i32 to index
      %swap3A_32 = tpu.vector_load %arg23[%swap3A] {strides = array<i32>} : memref<2064xi32, #tpu.memory_space<vmem>>, vector<16xi32>,
      tpu.vector_store %arg23[%swap3A], %broadcast_in_dim3A_3 {strides = array<i32>} : memref<2064xi32, #tpu.memory_space<vmem>>, vector<16xi32>,
      %swap3A_33 = arith.index_cast %add3A_31 : i32 to index
      %swap3A_34 = tpu.vector_load %arg24[%swap3A_33] {strides = array<i32>} : memref<2064xi32, #tpu.memory_space<vmem>>, vector<16xi32>,
      tpu.vector_store %arg24[%swap3A_33], %broadcast_in_dim3A_3 {strides = array<i32>} : memref<2064xi32, #tpu.memory_space<vmem>>, vector<16xi32>,
    }
    %scan3A_21 = arith.constant 129 : i32
    %iota3A = tpu.iota {dimensions = array<i32: 0>} : vector<16xi32>
    %scan3A_22 = arith.constant 0 : i32
    %scan3A_23 = arith.constant 160 : i32
    %scan3A_24 = arith.addi %scan3A_22, %scan3A_23 : i32
    %scan3A_25 = arith.constant 1 : i32
    scf.for %scan3A_27 = %scan3A_22 to %scan3A_24 step %scan3A_25  : i32 {
      %mul3A_28 = arith.constant 1 : i32
      %mul3A_29 = arith.muli %scan3A_27, %mul3A_28 : i32
      %add3A_30 = arith.constant 0 : i32
      %add3A_31 = arith.addi %add3A_30, %mul3A_29 : i32
      %mul3A_32 = arith.constant 2000 : i32
      %mul3A_33 = arith.muli %add3A_31, %mul3A_32 : i32
      "tpu.region"() ({
        %run_scoped3A = tpu.sem_alloc : memref<!tpu.dma_semaphore, #tpu.memory_space<semaphore_mem>>
        %dma_start3A = tpu.memref_slice %arg2[%mul3A_33] : memref<320000xi32, #tpu.memory_space<hbm>> -> memref<2000xi32, #tpu.memory_space<hbm>>
        %dma_start3A_62 = tpu.memref_slice %arg2[%mul3A_33] : memref<320000xi32, #tpu.memory_space<hbm>> -> memref<2000xi32, #tpu.memory_space<hbm>>
        tpu.enqueue_dma source(%dma_start3A_62 : memref<2000xi32, #tpu.memory_space<hbm>>) target(%arg21 : memref<2000xi32, #tpu.memory_space<vmem>>) target_semaphore(%run_scoped3A : memref<!tpu.dma_semaphore, #tpu.memory_space<semaphore_mem>>)
        %dma_wait3A = tpu.memref_slice %arg2[%mul3A_33] : memref<320000xi32, #tpu.memory_space<hbm>> -> memref<2000xi32, #tpu.memory_space<hbm>>
        %dma_wait3A_63 = tpu.memref_slice %arg2[%mul3A_33] : memref<320000xi32, #tpu.memory_space<hbm>> -> memref<2000xi32, #tpu.memory_space<hbm>>
        tpu.wait_dma2 semaphore(%run_scoped3A : memref<!tpu.dma_semaphore, #tpu.memory_space<semaphore_mem>>) src(%dma_wait3A_63 : memref<2000xi32, #tpu.memory_space<hbm>>) dst(%arg21 : memref<2000xi32, #tpu.memory_space<vmem>>)
        tpu.yield
      }) : () -> ()
      "tpu.region"() ({
        %run_scoped3A = tpu.sem_alloc : memref<!tpu.dma_semaphore, #tpu.memory_space<semaphore_mem>>
        %dma_start3A = tpu.memref_slice %arg3[%mul3A_33] : memref<320000xi32, #tpu.memory_space<hbm>> -> memref<2000xi32, #tpu.memory_space<hbm>>
        %dma_start3A_62 = tpu.memref_slice %arg3[%mul3A_33] : memref<320000xi32, #tpu.memory_space<hbm>> -> memref<2000xi32, #tpu.memory_space<hbm>>
        tpu.enqueue_dma source(%dma_start3A_62 : memref<2000xi32, #tpu.memory_space<hbm>>) target(%arg22 : memref<2000xi32, #tpu.memory_space<vmem>>) target_semaphore(%run_scoped3A : memref<!tpu.dma_semaphore, #tpu.memory_space<semaphore_mem>>)
        %dma_wait3A = tpu.memref_slice %arg3[%mul3A_33] : memref<320000xi32, #tpu.memory_space<hbm>> -> memref<2000xi32, #tpu.memory_space<hbm>>
        %dma_wait3A_63 = tpu.memref_slice %arg3[%mul3A_33] : memref<320000xi32, #tpu.memory_space<hbm>> -> memref<2000xi32, #tpu.memory_space<hbm>>
        tpu.wait_dma2 semaphore(%run_scoped3A : memref<!tpu.dma_semaphore, #tpu.memory_space<semaphore_mem>>) src(%dma_wait3A_63 : memref<2000xi32, #tpu.memory_space<hbm>>) dst(%arg22 : memref<2000xi32, #tpu.memory_space<vmem>>)
        tpu.yield
      }) : () -> ()
      %scan3A_34 = arith.constant 0 : i32
      %scan3A_35 = arith.constant 0 : i32
      %scan3A_36 = arith.constant 125 : i32
      %scan3A_37 = arith.addi %scan3A_35, %scan3A_36 : i32
      %scan3A_38 = arith.constant 1 : i32
      %scan3A_39 = scf.for %scan3A_62 = %scan3A_35 to %scan3A_37 step %scan3A_38 iter_args(%scan3A_63 = %scan3A_34) -> (i32)  : i32 {
        %mul3A_64 = arith.constant 16 : i32
        %mul3A_65 = arith.muli %scan3A_62, %mul3A_64 : i32
        %add3A_66 = arith.constant 0 : i32
        %add3A_67 = arith.addi %add3A_66, %mul3A_65 : i32
        %get3A = arith.index_cast %add3A_67 : i32 to index
        %get3A_68 = tpu.vector_load %arg22[%get3A] {strides = array<i32>} : memref<2000xi32, #tpu.memory_space<vmem>>, vector<16xi32>,
        %and3A = arith.constant 31 : i32
        %and3A_69 = vector.broadcast %and3A : i32 to vector<16xi32>
        %and3A_70 = arith.andi %get3A_68, %and3A_69 : vector<16xi32>
        %eq3A = vector.broadcast %add3A : i32 to vector<16xi32>
        %eq3A_71 = arith.cmpi eq, %and3A_70, %eq3A : vector<16xi32>
        %get3A_72 = arith.index_cast %add3A_67 : i32 to index
        %get3A_73 = tpu.vector_load %arg21[%get3A_72] {strides = array<i32>} : memref<2000xi32, #tpu.memory_space<vmem>>, vector<16xi32>,
        %shift_right_logical3A = arith.constant 5 : i32
        %shift_right_logical3A_74 = vector.broadcast %shift_right_logical3A : i32 to vector<16xi32>
        %shift_right_logical3A_75 = arith.shrui %get3A_68, %shift_right_logical3A_74 : vector<16xi32>
        %swap3A = arith.index_cast %scan3A_63 : i32 to index
        %swap3A_76 = tpu.vector_load %arg23[%swap3A] masked %eq3A_71 {strides = array<i32>} : memref<2064xi32, #tpu.memory_space<vmem>>, vector<16xi32>, vector<16xi1>
        tpu.vector_store %arg23[%swap3A], %get3A_73 masked %eq3A_71 {strides = array<i32>} : memref<2064xi32, #tpu.memory_space<vmem>>, vector<16xi32>, vector<16xi1>
        %swap3A_77 = arith.index_cast %scan3A_63 : i32 to index
        %swap3A_78 = tpu.vector_load %arg24[%swap3A_77] masked %eq3A_71 {strides = array<i32>} : memref<2064xi32, #tpu.memory_space<vmem>>, vector<16xi32>, vector<16xi1>
        tpu.vector_store %arg24[%swap3A_77], %shift_right_logical3A_75 masked %eq3A_71 {strides = array<i32>} : memref<2064xi32, #tpu.memory_space<vmem>>, vector<16xi32>, vector<16xi1>
        %all_reduce_population_count3A = tpu.all_reduce %eq3A_71 {dim = 0 : i64, kind = #tpu.reduction_kind<sum>} : vector<16xi1> -> vector<16xi32>
        %slice3A = vector.extract_strided_slice %all_reduce_population_count3A {offsets = [0], sizes = [1], strides = [1]} : vector<16xi32> to vector<1xi32>
        %squeeze3A = vector.extract %slice3A[0] : i32 from vector<1xi32>
        %add3A_79 = arith.addi %scan3A_63, %squeeze3A : i32
        scf.yield %add3A_79 : i32
      }
      %scan3A_40 = arith.constant 125 : i32
      %add3A_41 = arith.constant 64 : i32
      %add3A_42 = arith.addi %scan3A_39, %add3A_41 : i32
      %sub3A = arith.constant 1 : i32
      %sub3A_43 = arith.subi %add3A_42, %sub3A : i32
      %shift_right_arithmetic3A = arith.constant 6 : i32
      %shift_right_arithmetic3A_44 = arith.shrsi %sub3A_43, %shift_right_arithmetic3A : i32
      %sub3A_45 = arith.constant 0 : i32
      %sub3A_46 = arith.subi %shift_right_arithmetic3A_44, %sub3A_45 : i32
      %sub3A_47 = arith.constant 1 : i32
      %sub3A_48 = arith.constant 1 : i32
      %sub3A_49 = arith.subi %sub3A_47, %sub3A_48 : i32
      %add3A_50 = arith.addi %sub3A_46, %sub3A_49 : i32
      %div3A = arith.constant 1 : i32
      %div3A_51 = arith.divsi %add3A_50, %div3A : i32
      %while3A = arith.constant 1 : i32
      %while3A_52 = arith.constant 0 : i32
      %while3A_53 = arith.constant 0 : i32
      %while3A_54 = arith.subi %div3A_51, %while3A_53 : i32
      %while3A_55 = arith.addi %while3A_53, %while3A_54 : i32
      %while3A_56 = arith.constant 1 : i32
      %while3A_57 = arith.divsi %while3A_54, %while3A_56 : i32
      %while3A_58 = arith.muli %while3A_57, %while3A_56 : i32
      %while3A_59 = arith.addi %while3A_53, %while3A_58 : i32
      %while3A_60 = arith.constant 1 : i32
      scf.for %while3A_62 = %while3A_53 to %while3A_59 step %while3A_60  : i32 {
        %mul3A_63 = arith.muli %while3A_62, %while3A : i32
        %add3A_64 = arith.addi %while3A_52, %mul3A_63 : i32
        %mul3A_65 = arith.constant 64 : i32
        %mul3A_66 = arith.muli %add3A_64, %mul3A_65 : i32
        "tpu.region"() ({
          %run_scoped3A = tpu.sem_alloc : memref<!tpu.dma_semaphore, #tpu.memory_space<semaphore_mem>>
          %dma_start3A = tpu.memref_slice %arg23[%mul3A_66] : memref<2064xi32, #tpu.memory_space<vmem>> -> memref<64xi32, #tpu.memory_space<vmem>>
          %dma_start3A_93 = arith.constant 0 : i32
          %dma_start3A_94 = arith.constant 0 : i32
          %dma_start3A_95 = tpu.memref_slice %arg7[%dma_start3A_93, %dma_start3A_94] : memref<10000x256xf32, #tpu.memory_space<hbm>> -> memref<10000x256xf32, #tpu.memory_space<hbm>>
          tpu.enqueue_indirect_dma source(%dma_start3A_95 : memref<10000x256xf32, #tpu.memory_space<hbm>>) target(%arg26 : memref<64x256xf32, #tpu.memory_space<vmem>>) offsets(%dma_start3A : memref<64xi32, #tpu.memory_space<vmem>>) semaphore(%run_scoped3A : memref<!tpu.dma_semaphore, #tpu.memory_space<semaphore_mem>>)
          %dma_wait3A = tpu.memref_slice %arg23[%mul3A_66] : memref<2064xi32, #tpu.memory_space<vmem>> -> memref<64xi32, #tpu.memory_space<vmem>>
          %dma_wait3A_96 = arith.constant 0 : i32
          %dma_wait3A_97 = arith.constant 0 : i32
          %dma_wait3A_98 = tpu.memref_slice %arg7[%dma_wait3A_96, %dma_wait3A_97] : memref<10000x256xf32, #tpu.memory_space<hbm>> -> memref<10000x256xf32, #tpu.memory_space<hbm>>
          tpu.wait_indirect_dma semaphore(%run_scoped3A : memref<!tpu.dma_semaphore, #tpu.memory_space<semaphore_mem>>) src(%dma_wait3A_98 : memref<10000x256xf32, #tpu.memory_space<hbm>>) dst(%arg26 : memref<64x256xf32, #tpu.memory_space<vmem>>)
          tpu.yield
        }) : () -> ()
        %scan3A_67 = arith.constant 0 : i32
        %scan3A_68 = arith.constant 4 : i32
        %scan3A_69 = arith.addi %scan3A_67, %scan3A_68 : i32
        %scan3A_70 = arith.constant 1 : i32
        scf.for %scan3A_93 = %scan3A_67 to %scan3A_69 step %scan3A_70  : i32 {
          %mul3A_94 = arith.constant 16 : i32
          %mul3A_95 = arith.muli %scan3A_93, %mul3A_94 : i32
          %add3A_96 = arith.constant 0 : i32
          %add3A_97 = arith.addi %add3A_96, %mul3A_95 : i32
          %add3A_98 = arith.addi %mul3A_66, %add3A_97 : i32
          %get3A = arith.index_cast %add3A_98 : i32 to index
          %get3A_99 = tpu.vector_load %arg23[%get3A] {strides = array<i32>} : memref<2064xi32, #tpu.memory_space<vmem>>, vector<16xi32>,
          %get3A_100 = arith.index_cast %add3A_98 : i32 to index
          %get3A_101 = tpu.vector_load %arg24[%get3A_100] {strides = array<i32>} : memref<2064xi32, #tpu.memory_space<vmem>>, vector<16xi32>,
          %gather3A = tpu.vector_load_idx %arg18[%get3A_99] : memref<10000xf32, #tpu.memory_space<vmem>>[vector<16xi32>], vector<16xf32>,
          %gather3A_102 = tpu.vector_load_idx %arg20[%get3A_101] : memref<320xf32, #tpu.memory_space<vmem>>[vector<16xi32>], vector<16xf32>,
          %add3A_103 = arith.addf %gather3A, %gather3A_102 : vector<16xf32>
          %mul3A_104 = arith.constant 0.00999999977 : f32
          %mul3A_105 = vector.broadcast %mul3A_104 : f32 to vector<16xf32>
          %mul3A_106 = arith.mulf %add3A_103, %mul3A_105 : vector<16xf32>
          %max3A_107 = arith.maximumf %add3A_103, %mul3A_106 : vector<16xf32>
          %exp3A = math.exp %max3A_107 : vector<16xf32>
          %add3A_108 = vector.broadcast %add3A_98 : i32 to vector<16xi32>
          %add3A_109 = arith.addi %add3A_108, %iota3A : vector<16xi32>
          %lt3A = vector.broadcast %scan3A_39 : i32 to vector<16xi32>
          %lt3A_110 = arith.cmpi slt, %add3A_109, %lt3A : vector<16xi32>
          tpu.vector_store_idx %arg15[%get3A_101], %exp3A masked %lt3A_110 {add = true} : memref<320xf32, #tpu.memory_space<vmem>>[vector<16xi32>], vector<16xf32>, vector<16xi1>
          tpu.vector_store_idx %arg16[%get3A_101], %broadcast_in_dim3A_7 masked %lt3A_110 {add = true} : memref<320xf32, #tpu.memory_space<vmem>>[vector<16xi32>], vector<16xf32>, vector<16xi1>
          %gather3A_111 = tpu.vector_load_idx %arg19[%get3A_99] : memref<10000xf32, #tpu.memory_space<vmem>>[vector<16xi32>], vector<16xf32>,
          tpu.vector_store_idx %arg17[%get3A_101], %gather3A_111 masked %lt3A_110 {add = true} : memref<320xf32, #tpu.memory_space<vmem>>[vector<16xi32>], vector<16xf32>, vector<16xi1>
          %swap3A = arith.index_cast %add3A_97 : i32 to index
          %swap3A_112 = tpu.vector_load %arg25[%swap3A] {strides = array<i32>} : memref<80xf32, #tpu.memory_space<vmem>>, vector<16xf32>,
          tpu.vector_store %arg25[%swap3A], %exp3A {strides = array<i32>} : memref<80xf32, #tpu.memory_space<vmem>>, vector<16xf32>,
        }
        %scan3A_71 = arith.constant 4 : i32
        %sub3A_72 = arith.subi %scan3A_39, %mul3A_66 : i32
        %jit3A = arith.constant 0 : i32
        %jit3A_73 = arith.constant 64 : i32
        %max3A = arith.maxsi %jit3A, %sub3A_72 : i32
        %min3A = arith.minsi %jit3A_73, %max3A : i32
        %sub3A_74 = arith.constant 0 : i32
        %sub3A_75 = arith.subi %min3A, %sub3A_74 : i32
        %sub3A_76 = arith.constant 1 : i32
        %sub3A_77 = arith.constant 1 : i32
        %sub3A_78 = arith.subi %sub3A_76, %sub3A_77 : i32
        %add3A_79 = arith.addi %sub3A_75, %sub3A_78 : i32
        %div3A_80 = arith.constant 1 : i32
        %div3A_81 = arith.divsi %add3A_79, %div3A_80 : i32
        %while3A_82 = arith.constant 1 : i32
        %while3A_83 = arith.constant 0 : i32
        %while3A_84 = arith.constant 0 : i32
        %while3A_85 = arith.subi %div3A_81, %while3A_84 : i32
        %while3A_86 = arith.addi %while3A_84, %while3A_85 : i32
        %while3A_87 = arith.constant 1 : i32
        %while3A_88 = arith.divsi %while3A_85, %while3A_87 : i32
        %while3A_89 = arith.muli %while3A_88, %while3A_87 : i32
        %while3A_90 = arith.addi %while3A_84, %while3A_89 : i32
        %while3A_91 = arith.constant 1 : i32
        scf.for %while3A_93 = %while3A_84 to %while3A_90 step %while3A_91  : i32 {
          %mul3A_94 = arith.muli %while3A_93, %while3A_82 : i32
          %add3A_95 = arith.addi %while3A_83, %mul3A_94 : i32
          %add3A_96 = arith.addi %mul3A_66, %add3A_95 : i32
          %get3A = arith.index_cast %add3A_96 : i32 to index
          %get3A_97 = tpu.vector_load %arg24[%get3A] {strides = array<i32>} : memref<2064xi32, #tpu.memory_space<vmem>>, vector<16xi32>,
          %slice3A = vector.extract_strided_slice %get3A_97 {offsets = [0], sizes = [1], strides = [1]} : vector<16xi32> to vector<1xi32>
          %squeeze3A = vector.extract %slice3A[0] : i32 from vector<1xi32>
          %get3A_98 = arith.index_cast %add3A_95 : i32 to index
          %get3A_99 = tpu.vector_load %arg25[%get3A_98] {strides = array<i32>} : memref<80xf32, #tpu.memory_space<vmem>>, vector<16xf32>,
          %slice3A_100 = vector.extract_strided_slice %get3A_99 {offsets = [0], sizes = [1], strides = [1]} : vector<16xf32> to vector<1xf32>
          %squeeze3A_101 = vector.extract %slice3A_100[0] : f32 from vector<1xf32>
          %get3A_102 = arith.index_cast %squeeze3A : i32 to index
          %get3A_103 = arith.constant 0 : index
          %get3A_104 = tpu.vector_load %arg13[%get3A_102, %get3A_103] {strides = array<i32>} : memref<313x128xf32, #tpu.memory_space<vmem>>, vector<16xf32>,
          %get3A_105 = arith.index_cast %add3A_95 : i32 to index
          %get3A_106 = arith.constant 0 : index
          %get3A_107 = tpu.vector_load %arg26[%get3A_105, %get3A_106] {strides = array<i32>} : memref<64x256xf32, #tpu.memory_space<vmem>>, vector<16xf32>,
          %mul3A_108 = vector.broadcast %squeeze3A_101 : f32 to vector<16xf32>
          %mul3A_109 = arith.mulf %mul3A_108, %get3A_107 : vector<16xf32>
          %add3A_110 = arith.addf %get3A_104, %mul3A_109 : vector<16xf32>
          %swap3A = arith.index_cast %squeeze3A : i32 to index
          %swap3A_111 = arith.constant 0 : index
          %swap3A_112 = tpu.vector_load %arg13[%swap3A, %swap3A_111] {strides = array<i32>} : memref<313x128xf32, #tpu.memory_space<vmem>>, vector<16xf32>,
          tpu.vector_store %arg13[%swap3A, %swap3A_111], %add3A_110 {strides = array<i32>} : memref<313x128xf32, #tpu.memory_space<vmem>>, vector<16xf32>,
          %get3A_113 = arith.index_cast %squeeze3A : i32 to index
          %get3A_114 = arith.constant 0 : index
          %get3A_115 = tpu.vector_load %arg14[%get3A_113, %get3A_114] {strides = array<i32>} : memref<313x128xf32, #tpu.memory_space<vmem>>, vector<16xf32>,
          %get3A_116 = arith.index_cast %add3A_95 : i32 to index
          %get3A_117 = arith.constant 128 : index
          %get3A_118 = tpu.vector_load %arg26[%get3A_116, %get3A_117] {strides = array<i32>} : memref<64x256xf32, #tpu.memory_space<vmem>>, vector<16xf32>,
          %max3A_119 = arith.maximumf %get3A_115, %get3A_118 : vector<16xf32>
          %swap3A_120 = arith.index_cast %squeeze3A : i32 to index
          %swap3A_121 = arith.constant 0 : index
          %swap3A_122 = tpu.vector_load %arg14[%swap3A_120, %swap3A_121] {strides = array<i32>} : memref<313x128xf32, #tpu.memory_space<vmem>>, vector<16xf32>,
          tpu.vector_store %arg14[%swap3A_120, %swap3A_121], %max3A_119 {strides = array<i32>} : memref<313x128xf32, #tpu.memory_space<vmem>>, vector<16xf32>,
          %get3A_123 = arith.index_cast %squeeze3A : i32 to index
          %get3A_124 = arith.constant 16 : index
          %get3A_125 = tpu.vector_load %arg13[%get3A_123, %get3A_124] {strides = array<i32>} : memref<313x128xf32, #tpu.memory_space<vmem>>, vector<16xf32>,
          %get3A_126 = arith.index_cast %add3A_95 : i32 to index
          %get3A_127 = arith.constant 16 : index
          %get3A_128 = tpu.vector_load %arg26[%get3A_126, %get3A_127] {strides = array<i32>} : memref<64x256xf32, #tpu.memory_space<vmem>>, vector<16xf32>,
          %mul3A_129 = vector.broadcast %squeeze3A_101 : f32 to vector<16xf32>
          %mul3A_130 = arith.mulf %mul3A_129, %get3A_128 : vector<16xf32>
          %add3A_131 = arith.addf %get3A_125, %mul3A_130 : vector<16xf32>
          %swap3A_132 = arith.index_cast %squeeze3A : i32 to index
          %swap3A_133 = arith.constant 16 : index
          %swap3A_134 = tpu.vector_load %arg13[%swap3A_132, %swap3A_133] {strides = array<i32>} : memref<313x128xf32, #tpu.memory_space<vmem>>, vector<16xf32>,
          tpu.vector_store %arg13[%swap3A_132, %swap3A_133], %add3A_131 {strides = array<i32>} : memref<313x128xf32, #tpu.memory_space<vmem>>, vector<16xf32>,
          %get3A_135 = arith.index_cast %squeeze3A : i32 to index
          %get3A_136 = arith.constant 16 : index
          %get3A_137 = tpu.vector_load %arg14[%get3A_135, %get3A_136] {strides = array<i32>} : memref<313x128xf32, #tpu.memory_space<vmem>>, vector<16xf32>,
          %get3A_138 = arith.index_cast %add3A_95 : i32 to index
          %get3A_139 = arith.constant 144 : index
          %get3A_140 = tpu.vector_load %arg26[%get3A_138, %get3A_139] {strides = array<i32>} : memref<64x256xf32, #tpu.memory_space<vmem>>, vector<16xf32>,
          %max3A_141 = arith.maximumf %get3A_137, %get3A_140 : vector<16xf32>
          %swap3A_142 = arith.index_cast %squeeze3A : i32 to index
          %swap3A_143 = arith.constant 16 : index
          %swap3A_144 = tpu.vector_load %arg14[%swap3A_142, %swap3A_143] {strides = array<i32>} : memref<313x128xf32, #tpu.memory_space<vmem>>, vector<16xf32>,
          tpu.vector_store %arg14[%swap3A_142, %swap3A_143], %max3A_141 {strides = array<i32>} : memref<313x128xf32, #tpu.memory_space<vmem>>, vector<16xf32>,
          %get3A_145 = arith.index_cast %squeeze3A : i32 to index
          %get3A_146 = arith.constant 32 : index
          %get3A_147 = tpu.vector_load %arg13[%get3A_145, %get3A_146] {strides = array<i32>} : memref<313x128xf32, #tpu.memory_space<vmem>>, vector<16xf32>,
          %get3A_148 = arith.index_cast %add3A_95 : i32 to index
          %get3A_149 = arith.constant 32 : index
          %get3A_150 = tpu.vector_load %arg26[%get3A_148, %get3A_149] {strides = array<i32>} : memref<64x256xf32, #tpu.memory_space<vmem>>, vector<16xf32>,
          %mul3A_151 = vector.broadcast %squeeze3A_101 : f32 to vector<16xf32>
          %mul3A_152 = arith.mulf %mul3A_151, %get3A_150 : vector<16xf32>
          %add3A_153 = arith.addf %get3A_147, %mul3A_152 : vector<16xf32>
          %swap3A_154 = arith.index_cast %squeeze3A : i32 to index
          %swap3A_155 = arith.constant 32 : index
          %swap3A_156 = tpu.vector_load %arg13[%swap3A_154, %swap3A_155] {strides = array<i32>} : memref<313x128xf32, #tpu.memory_space<vmem>>, vector<16xf32>,
          tpu.vector_store %arg13[%swap3A_154, %swap3A_155], %add3A_153 {strides = array<i32>} : memref<313x128xf32, #tpu.memory_space<vmem>>, vector<16xf32>,
          %get3A_157 = arith.index_cast %squeeze3A : i32 to index
          %get3A_158 = arith.constant 32 : index
          %get3A_159 = tpu.vector_load %arg14[%get3A_157, %get3A_158] {strides = array<i32>} : memref<313x128xf32, #tpu.memory_space<vmem>>, vector<16xf32>,
          %get3A_160 = arith.index_cast %add3A_95 : i32 to index
          %get3A_161 = arith.constant 160 : index
          %get3A_162 = tpu.vector_load %arg26[%get3A_160, %get3A_161] {strides = array<i32>} : memref<64x256xf32, #tpu.memory_space<vmem>>, vector<16xf32>,
          %max3A_163 = arith.maximumf %get3A_159, %get3A_162 : vector<16xf32>
          %swap3A_164 = arith.index_cast %squeeze3A : i32 to index
          %swap3A_165 = arith.constant 32 : index
          %swap3A_166 = tpu.vector_load %arg14[%swap3A_164, %swap3A_165] {strides = array<i32>} : memref<313x128xf32, #tpu.memory_space<vmem>>, vector<16xf32>,
          tpu.vector_store %arg14[%swap3A_164, %swap3A_165], %max3A_163 {strides = array<i32>} : memref<313x128xf32, #tpu.memory_space<vmem>>, vector<16xf32>,
          %get3A_167 = arith.index_cast %squeeze3A : i32 to index
          %get3A_168 = arith.constant 48 : index
          %get3A_169 = tpu.vector_load %arg13[%get3A_167, %get3A_168] {strides = array<i32>} : memref<313x128xf32, #tpu.memory_space<vmem>>, vector<16xf32>,
          %get3A_170 = arith.index_cast %add3A_95 : i32 to index
          %get3A_171 = arith.constant 48 : index
          %get3A_172 = tpu.vector_load %arg26[%get3A_170, %get3A_171] {strides = array<i32>} : memref<64x256xf32, #tpu.memory_space<vmem>>, vector<16xf32>,
          %mul3A_173 = vector.broadcast %squeeze3A_101 : f32 to vector<16xf32>
          %mul3A_174 = arith.mulf %mul3A_173, %get3A_172 : vector<16xf32>
          %add3A_175 = arith.addf %get3A_169, %mul3A_174 : vector<16xf32>
          %swap3A_176 = arith.index_cast %squeeze3A : i32 to index
          %swap3A_177 = arith.constant 48 : index
          %swap3A_178 = tpu.vector_load %arg13[%swap3A_176, %swap3A_177] {strides = array<i32>} : memref<313x128xf32, #tpu.memory_space<vmem>>, vector<16xf32>,
          tpu.vector_store %arg13[%swap3A_176, %swap3A_177], %add3A_175 {strides = array<i32>} : memref<313x128xf32, #tpu.memory_space<vmem>>, vector<16xf32>,
          %get3A_179 = arith.index_cast %squeeze3A : i32 to index
          %get3A_180 = arith.constant 48 : index
          %get3A_181 = tpu.vector_load %arg14[%get3A_179, %get3A_180] {strides = array<i32>} : memref<313x128xf32, #tpu.memory_space<vmem>>, vector<16xf32>,
          %get3A_182 = arith.index_cast %add3A_95 : i32 to index
          %get3A_183 = arith.constant 176 : index
          %get3A_184 = tpu.vector_load %arg26[%get3A_182, %get3A_183] {strides = array<i32>} : memref<64x256xf32, #tpu.memory_space<vmem>>, vector<16xf32>,
          %max3A_185 = arith.maximumf %get3A_181, %get3A_184 : vector<16xf32>
          %swap3A_186 = arith.index_cast %squeeze3A : i32 to index
          %swap3A_187 = arith.constant 48 : index
          %swap3A_188 = tpu.vector_load %arg14[%swap3A_186, %swap3A_187] {strides = array<i32>} : memref<313x128xf32, #tpu.memory_space<vmem>>, vector<16xf32>,
          tpu.vector_store %arg14[%swap3A_186, %swap3A_187], %max3A_185 {strides = array<i32>} : memref<313x128xf32, #tpu.memory_space<vmem>>, vector<16xf32>,
          %get3A_189 = arith.index_cast %squeeze3A : i32 to index
          %get3A_190 = arith.constant 64 : index
          %get3A_191 = tpu.vector_load %arg13[%get3A_189, %get3A_190] {strides = array<i32>} : memref<313x128xf32, #tpu.memory_space<vmem>>, vector<16xf32>,
          %get3A_192 = arith.index_cast %add3A_95 : i32 to index
          %get3A_193 = arith.constant 64 : index
          %get3A_194 = tpu.vector_load %arg26[%get3A_192, %get3A_193] {strides = array<i32>} : memref<64x256xf32, #tpu.memory_space<vmem>>, vector<16xf32>,
          %mul3A_195 = vector.broadcast %squeeze3A_101 : f32 to vector<16xf32>
          %mul3A_196 = arith.mulf %mul3A_195, %get3A_194 : vector<16xf32>
          %add3A_197 = arith.addf %get3A_191, %mul3A_196 : vector<16xf32>
          %swap3A_198 = arith.index_cast %squeeze3A : i32 to index
          %swap3A_199 = arith.constant 64 : index
          %swap3A_200 = tpu.vector_load %arg13[%swap3A_198, %swap3A_199] {strides = array<i32>} : memref<313x128xf32, #tpu.memory_space<vmem>>, vector<16xf32>,
          tpu.vector_store %arg13[%swap3A_198, %swap3A_199], %add3A_197 {strides = array<i32>} : memref<313x128xf32, #tpu.memory_space<vmem>>, vector<16xf32>,
          %get3A_201 = arith.index_cast %squeeze3A : i32 to index
          %get3A_202 = arith.constant 64 : index
          %get3A_203 = tpu.vector_load %arg14[%get3A_201, %get3A_202] {strides = array<i32>} : memref<313x128xf32, #tpu.memory_space<vmem>>, vector<16xf32>,
          %get3A_204 = arith.index_cast %add3A_95 : i32 to index
          %get3A_205 = arith.constant 192 : index
          %get3A_206 = tpu.vector_load %arg26[%get3A_204, %get3A_205] {strides = array<i32>} : memref<64x256xf32, #tpu.memory_space<vmem>>, vector<16xf32>,
          %max3A_207 = arith.maximumf %get3A_203, %get3A_206 : vector<16xf32>
          %swap3A_208 = arith.index_cast %squeeze3A : i32 to index
          %swap3A_209 = arith.constant 64 : index
          %swap3A_210 = tpu.vector_load %arg14[%swap3A_208, %swap3A_209] {strides = array<i32>} : memref<313x128xf32, #tpu.memory_space<vmem>>, vector<16xf32>,
          tpu.vector_store %arg14[%swap3A_208, %swap3A_209], %max3A_207 {strides = array<i32>} : memref<313x128xf32, #tpu.memory_space<vmem>>, vector<16xf32>,
          %get3A_211 = arith.index_cast %squeeze3A : i32 to index
          %get3A_212 = arith.constant 80 : index
          %get3A_213 = tpu.vector_load %arg13[%get3A_211, %get3A_212] {strides = array<i32>} : memref<313x128xf32, #tpu.memory_space<vmem>>, vector<16xf32>,
          %get3A_214 = arith.index_cast %add3A_95 : i32 to index
          %get3A_215 = arith.constant 80 : index
          %get3A_216 = tpu.vector_load %arg26[%get3A_214, %get3A_215] {strides = array<i32>} : memref<64x256xf32, #tpu.memory_space<vmem>>, vector<16xf32>,
          %mul3A_217 = vector.broadcast %squeeze3A_101 : f32 to vector<16xf32>
          %mul3A_218 = arith.mulf %mul3A_217, %get3A_216 : vector<16xf32>
          %add3A_219 = arith.addf %get3A_213, %mul3A_218 : vector<16xf32>
          %swap3A_220 = arith.index_cast %squeeze3A : i32 to index
          %swap3A_221 = arith.constant 80 : index
          %swap3A_222 = tpu.vector_load %arg13[%swap3A_220, %swap3A_221] {strides = array<i32>} : memref<313x128xf32, #tpu.memory_space<vmem>>, vector<16xf32>,
          tpu.vector_store %arg13[%swap3A_220, %swap3A_221], %add3A_219 {strides = array<i32>} : memref<313x128xf32, #tpu.memory_space<vmem>>, vector<16xf32>,
          %get3A_223 = arith.index_cast %squeeze3A : i32 to index
          %get3A_224 = arith.constant 80 : index
          %get3A_225 = tpu.vector_load %arg14[%get3A_223, %get3A_224] {strides = array<i32>} : memref<313x128xf32, #tpu.memory_space<vmem>>, vector<16xf32>,
          %get3A_226 = arith.index_cast %add3A_95 : i32 to index
          %get3A_227 = arith.constant 208 : index
          %get3A_228 = tpu.vector_load %arg26[%get3A_226, %get3A_227] {strides = array<i32>} : memref<64x256xf32, #tpu.memory_space<vmem>>, vector<16xf32>,
          %max3A_229 = arith.maximumf %get3A_225, %get3A_228 : vector<16xf32>
          %swap3A_230 = arith.index_cast %squeeze3A : i32 to index
          %swap3A_231 = arith.constant 80 : index
          %swap3A_232 = tpu.vector_load %arg14[%swap3A_230, %swap3A_231] {strides = array<i32>} : memref<313x128xf32, #tpu.memory_space<vmem>>, vector<16xf32>,
          tpu.vector_store %arg14[%swap3A_230, %swap3A_231], %max3A_229 {strides = array<i32>} : memref<313x128xf32, #tpu.memory_space<vmem>>, vector<16xf32>,
          %get3A_233 = arith.index_cast %squeeze3A : i32 to index
          %get3A_234 = arith.constant 96 : index
          %get3A_235 = tpu.vector_load %arg13[%get3A_233, %get3A_234] {strides = array<i32>} : memref<313x128xf32, #tpu.memory_space<vmem>>, vector<16xf32>,
          %get3A_236 = arith.index_cast %add3A_95 : i32 to index
          %get3A_237 = arith.constant 96 : index
          %get3A_238 = tpu.vector_load %arg26[%get3A_236, %get3A_237] {strides = array<i32>} : memref<64x256xf32, #tpu.memory_space<vmem>>, vector<16xf32>,
          %mul3A_239 = vector.broadcast %squeeze3A_101 : f32 to vector<16xf32>
          %mul3A_240 = arith.mulf %mul3A_239, %get3A_238 : vector<16xf32>
          %add3A_241 = arith.addf %get3A_235, %mul3A_240 : vector<16xf32>
          %swap3A_242 = arith.index_cast %squeeze3A : i32 to index
          %swap3A_243 = arith.constant 96 : index
          %swap3A_244 = tpu.vector_load %arg13[%swap3A_242, %swap3A_243] {strides = array<i32>} : memref<313x128xf32, #tpu.memory_space<vmem>>, vector<16xf32>,
          tpu.vector_store %arg13[%swap3A_242, %swap3A_243], %add3A_241 {strides = array<i32>} : memref<313x128xf32, #tpu.memory_space<vmem>>, vector<16xf32>,
          %get3A_245 = arith.index_cast %squeeze3A : i32 to index
          %get3A_246 = arith.constant 96 : index
          %get3A_247 = tpu.vector_load %arg14[%get3A_245, %get3A_246] {strides = array<i32>} : memref<313x128xf32, #tpu.memory_space<vmem>>, vector<16xf32>,
          %get3A_248 = arith.index_cast %add3A_95 : i32 to index
          %get3A_249 = arith.constant 224 : index
          %get3A_250 = tpu.vector_load %arg26[%get3A_248, %get3A_249] {strides = array<i32>} : memref<64x256xf32, #tpu.memory_space<vmem>>, vector<16xf32>,
          %max3A_251 = arith.maximumf %get3A_247, %get3A_250 : vector<16xf32>
          %swap3A_252 = arith.index_cast %squeeze3A : i32 to index
          %swap3A_253 = arith.constant 96 : index
          %swap3A_254 = tpu.vector_load %arg14[%swap3A_252, %swap3A_253] {strides = array<i32>} : memref<313x128xf32, #tpu.memory_space<vmem>>, vector<16xf32>,
          tpu.vector_store %arg14[%swap3A_252, %swap3A_253], %max3A_251 {strides = array<i32>} : memref<313x128xf32, #tpu.memory_space<vmem>>, vector<16xf32>,
          %get3A_255 = arith.index_cast %squeeze3A : i32 to index
          %get3A_256 = arith.constant 112 : index
          %get3A_257 = tpu.vector_load %arg13[%get3A_255, %get3A_256] {strides = array<i32>} : memref<313x128xf32, #tpu.memory_space<vmem>>, vector<16xf32>,
          %get3A_258 = arith.index_cast %add3A_95 : i32 to index
          %get3A_259 = arith.constant 112 : index
          %get3A_260 = tpu.vector_load %arg26[%get3A_258, %get3A_259] {strides = array<i32>} : memref<64x256xf32, #tpu.memory_space<vmem>>, vector<16xf32>,
          %mul3A_261 = vector.broadcast %squeeze3A_101 : f32 to vector<16xf32>
          %mul3A_262 = arith.mulf %mul3A_261, %get3A_260 : vector<16xf32>
          %add3A_263 = arith.addf %get3A_257, %mul3A_262 : vector<16xf32>
          %swap3A_264 = arith.index_cast %squeeze3A : i32 to index
          %swap3A_265 = arith.constant 112 : index
          %swap3A_266 = tpu.vector_load %arg13[%swap3A_264, %swap3A_265] {strides = array<i32>} : memref<313x128xf32, #tpu.memory_space<vmem>>, vector<16xf32>,
          tpu.vector_store %arg13[%swap3A_264, %swap3A_265], %add3A_263 {strides = array<i32>} : memref<313x128xf32, #tpu.memory_space<vmem>>, vector<16xf32>,
          %get3A_267 = arith.index_cast %squeeze3A : i32 to index
          %get3A_268 = arith.constant 112 : index
          %get3A_269 = tpu.vector_load %arg14[%get3A_267, %get3A_268] {strides = array<i32>} : memref<313x128xf32, #tpu.memory_space<vmem>>, vector<16xf32>,
          %get3A_270 = arith.index_cast %add3A_95 : i32 to index
          %get3A_271 = arith.constant 240 : index
          %get3A_272 = tpu.vector_load %arg26[%get3A_270, %get3A_271] {strides = array<i32>} : memref<64x256xf32, #tpu.memory_space<vmem>>, vector<16xf32>,
          %max3A_273 = arith.maximumf %get3A_269, %get3A_272 : vector<16xf32>
          %swap3A_274 = arith.index_cast %squeeze3A : i32 to index
          %swap3A_275 = arith.constant 112 : index
          %swap3A_276 = tpu.vector_load %arg14[%swap3A_274, %swap3A_275] {strides = array<i32>} : memref<313x128xf32, #tpu.memory_space<vmem>>, vector<16xf32>,
          tpu.vector_store %arg14[%swap3A_274, %swap3A_275], %max3A_273 {strides = array<i32>} : memref<313x128xf32, #tpu.memory_space<vmem>>, vector<16xf32>,
        }
        %while3A_92 = arith.constant 1 : i32
        scf.for %while3A_93 = %while3A_90 to %while3A_86 step %while3A_92  : i32 {
          %mul3A_94 = arith.muli %while3A_93, %while3A_82 : i32
          %add3A_95 = arith.addi %while3A_83, %mul3A_94 : i32
          %add3A_96 = arith.addi %mul3A_66, %add3A_95 : i32
          %get3A = arith.index_cast %add3A_96 : i32 to index
          %get3A_97 = tpu.vector_load %arg24[%get3A] {strides = array<i32>} : memref<2064xi32, #tpu.memory_space<vmem>>, vector<16xi32>,
          %slice3A = vector.extract_strided_slice %get3A_97 {offsets = [0], sizes = [1], strides = [1]} : vector<16xi32> to vector<1xi32>
          %squeeze3A = vector.extract %slice3A[0] : i32 from vector<1xi32>
          %get3A_98 = arith.index_cast %add3A_95 : i32 to index
          %get3A_99 = tpu.vector_load %arg25[%get3A_98] {strides = array<i32>} : memref<80xf32, #tpu.memory_space<vmem>>, vector<16xf32>,
          %slice3A_100 = vector.extract_strided_slice %get3A_99 {offsets = [0], sizes = [1], strides = [1]} : vector<16xf32> to vector<1xf32>
          %squeeze3A_101 = vector.extract %slice3A_100[0] : f32 from vector<1xf32>
          %get3A_102 = arith.index_cast %squeeze3A : i32 to index
          %get3A_103 = arith.constant 0 : index
          %get3A_104 = tpu.vector_load %arg13[%get3A_102, %get3A_103] {strides = array<i32>} : memref<313x128xf32, #tpu.memory_space<vmem>>, vector<16xf32>,
          %get3A_105 = arith.index_cast %add3A_95 : i32 to index
          %get3A_106 = arith.constant 0 : index
          %get3A_107 = tpu.vector_load %arg26[%get3A_105, %get3A_106] {strides = array<i32>} : memref<64x256xf32, #tpu.memory_space<vmem>>, vector<16xf32>,
          %mul3A_108 = vector.broadcast %squeeze3A_101 : f32 to vector<16xf32>
          %mul3A_109 = arith.mulf %mul3A_108, %get3A_107 : vector<16xf32>
          %add3A_110 = arith.addf %get3A_104, %mul3A_109 : vector<16xf32>
          %swap3A = arith.index_cast %squeeze3A : i32 to index
          %swap3A_111 = arith.constant 0 : index
          %swap3A_112 = tpu.vector_load %arg13[%swap3A, %swap3A_111] {strides = array<i32>} : memref<313x128xf32, #tpu.memory_space<vmem>>, vector<16xf32>,
          tpu.vector_store %arg13[%swap3A, %swap3A_111], %add3A_110 {strides = array<i32>} : memref<313x128xf32, #tpu.memory_space<vmem>>, vector<16xf32>,
          %get3A_113 = arith.index_cast %squeeze3A : i32 to index
          %get3A_114 = arith.constant 0 : index
          %get3A_115 = tpu.vector_load %arg14[%get3A_113, %get3A_114] {strides = array<i32>} : memref<313x128xf32, #tpu.memory_space<vmem>>, vector<16xf32>,
          %get3A_116 = arith.index_cast %add3A_95 : i32 to index
          %get3A_117 = arith.constant 128 : index
          %get3A_118 = tpu.vector_load %arg26[%get3A_116, %get3A_117] {strides = array<i32>} : memref<64x256xf32, #tpu.memory_space<vmem>>, vector<16xf32>,
          %max3A_119 = arith.maximumf %get3A_115, %get3A_118 : vector<16xf32>
          %swap3A_120 = arith.index_cast %squeeze3A : i32 to index
          %swap3A_121 = arith.constant 0 : index
          %swap3A_122 = tpu.vector_load %arg14[%swap3A_120, %swap3A_121] {strides = array<i32>} : memref<313x128xf32, #tpu.memory_space<vmem>>, vector<16xf32>,
          tpu.vector_store %arg14[%swap3A_120, %swap3A_121], %max3A_119 {strides = array<i32>} : memref<313x128xf32, #tpu.memory_space<vmem>>, vector<16xf32>,
          %get3A_123 = arith.index_cast %squeeze3A : i32 to index
          %get3A_124 = arith.constant 16 : index
          %get3A_125 = tpu.vector_load %arg13[%get3A_123, %get3A_124] {strides = array<i32>} : memref<313x128xf32, #tpu.memory_space<vmem>>, vector<16xf32>,
          %get3A_126 = arith.index_cast %add3A_95 : i32 to index
          %get3A_127 = arith.constant 16 : index
          %get3A_128 = tpu.vector_load %arg26[%get3A_126, %get3A_127] {strides = array<i32>} : memref<64x256xf32, #tpu.memory_space<vmem>>, vector<16xf32>,
          %mul3A_129 = vector.broadcast %squeeze3A_101 : f32 to vector<16xf32>
          %mul3A_130 = arith.mulf %mul3A_129, %get3A_128 : vector<16xf32>
          %add3A_131 = arith.addf %get3A_125, %mul3A_130 : vector<16xf32>
          %swap3A_132 = arith.index_cast %squeeze3A : i32 to index
          %swap3A_133 = arith.constant 16 : index
          %swap3A_134 = tpu.vector_load %arg13[%swap3A_132, %swap3A_133] {strides = array<i32>} : memref<313x128xf32, #tpu.memory_space<vmem>>, vector<16xf32>,
          tpu.vector_store %arg13[%swap3A_132, %swap3A_133], %add3A_131 {strides = array<i32>} : memref<313x128xf32, #tpu.memory_space<vmem>>, vector<16xf32>,
          %get3A_135 = arith.index_cast %squeeze3A : i32 to index
          %get3A_136 = arith.constant 16 : index
          %get3A_137 = tpu.vector_load %arg14[%get3A_135, %get3A_136] {strides = array<i32>} : memref<313x128xf32, #tpu.memory_space<vmem>>, vector<16xf32>,
          %get3A_138 = arith.index_cast %add3A_95 : i32 to index
          %get3A_139 = arith.constant 144 : index
          %get3A_140 = tpu.vector_load %arg26[%get3A_138, %get3A_139] {strides = array<i32>} : memref<64x256xf32, #tpu.memory_space<vmem>>, vector<16xf32>,
          %max3A_141 = arith.maximumf %get3A_137, %get3A_140 : vector<16xf32>
          %swap3A_142 = arith.index_cast %squeeze3A : i32 to index
          %swap3A_143 = arith.constant 16 : index
          %swap3A_144 = tpu.vector_load %arg14[%swap3A_142, %swap3A_143] {strides = array<i32>} : memref<313x128xf32, #tpu.memory_space<vmem>>, vector<16xf32>,
          tpu.vector_store %arg14[%swap3A_142, %swap3A_143], %max3A_141 {strides = array<i32>} : memref<313x128xf32, #tpu.memory_space<vmem>>, vector<16xf32>,
          %get3A_145 = arith.index_cast %squeeze3A : i32 to index
          %get3A_146 = arith.constant 32 : index
          %get3A_147 = tpu.vector_load %arg13[%get3A_145, %get3A_146] {strides = array<i32>} : memref<313x128xf32, #tpu.memory_space<vmem>>, vector<16xf32>,
          %get3A_148 = arith.index_cast %add3A_95 : i32 to index
          %get3A_149 = arith.constant 32 : index
          %get3A_150 = tpu.vector_load %arg26[%get3A_148, %get3A_149] {strides = array<i32>} : memref<64x256xf32, #tpu.memory_space<vmem>>, vector<16xf32>,
          %mul3A_151 = vector.broadcast %squeeze3A_101 : f32 to vector<16xf32>
          %mul3A_152 = arith.mulf %mul3A_151, %get3A_150 : vector<16xf32>
          %add3A_153 = arith.addf %get3A_147, %mul3A_152 : vector<16xf32>
          %swap3A_154 = arith.index_cast %squeeze3A : i32 to index
          %swap3A_155 = arith.constant 32 : index
          %swap3A_156 = tpu.vector_load %arg13[%swap3A_154, %swap3A_155] {strides = array<i32>} : memref<313x128xf32, #tpu.memory_space<vmem>>, vector<16xf32>,
          tpu.vector_store %arg13[%swap3A_154, %swap3A_155], %add3A_153 {strides = array<i32>} : memref<313x128xf32, #tpu.memory_space<vmem>>, vector<16xf32>,
          %get3A_157 = arith.index_cast %squeeze3A : i32 to index
          %get3A_158 = arith.constant 32 : index
          %get3A_159 = tpu.vector_load %arg14[%get3A_157, %get3A_158] {strides = array<i32>} : memref<313x128xf32, #tpu.memory_space<vmem>>, vector<16xf32>,
          %get3A_160 = arith.index_cast %add3A_95 : i32 to index
          %get3A_161 = arith.constant 160 : index
          %get3A_162 = tpu.vector_load %arg26[%get3A_160, %get3A_161] {strides = array<i32>} : memref<64x256xf32, #tpu.memory_space<vmem>>, vector<16xf32>,
          %max3A_163 = arith.maximumf %get3A_159, %get3A_162 : vector<16xf32>
          %swap3A_164 = arith.index_cast %squeeze3A : i32 to index
          %swap3A_165 = arith.constant 32 : index
          %swap3A_166 = tpu.vector_load %arg14[%swap3A_164, %swap3A_165] {strides = array<i32>} : memref<313x128xf32, #tpu.memory_space<vmem>>, vector<16xf32>,
          tpu.vector_store %arg14[%swap3A_164, %swap3A_165], %max3A_163 {strides = array<i32>} : memref<313x128xf32, #tpu.memory_space<vmem>>, vector<16xf32>,
          %get3A_167 = arith.index_cast %squeeze3A : i32 to index
          %get3A_168 = arith.constant 48 : index
          %get3A_169 = tpu.vector_load %arg13[%get3A_167, %get3A_168] {strides = array<i32>} : memref<313x128xf32, #tpu.memory_space<vmem>>, vector<16xf32>,
          %get3A_170 = arith.index_cast %add3A_95 : i32 to index
          %get3A_171 = arith.constant 48 : index
          %get3A_172 = tpu.vector_load %arg26[%get3A_170, %get3A_171] {strides = array<i32>} : memref<64x256xf32, #tpu.memory_space<vmem>>, vector<16xf32>,
          %mul3A_173 = vector.broadcast %squeeze3A_101 : f32 to vector<16xf32>
          %mul3A_174 = arith.mulf %mul3A_173, %get3A_172 : vector<16xf32>
          %add3A_175 = arith.addf %get3A_169, %mul3A_174 : vector<16xf32>
          %swap3A_176 = arith.index_cast %squeeze3A : i32 to index
          %swap3A_177 = arith.constant 48 : index
          %swap3A_178 = tpu.vector_load %arg13[%swap3A_176, %swap3A_177] {strides = array<i32>} : memref<313x128xf32, #tpu.memory_space<vmem>>, vector<16xf32>,
          tpu.vector_store %arg13[%swap3A_176, %swap3A_177], %add3A_175 {strides = array<i32>} : memref<313x128xf32, #tpu.memory_space<vmem>>, vector<16xf32>,
          %get3A_179 = arith.index_cast %squeeze3A : i32 to index
          %get3A_180 = arith.constant 48 : index
          %get3A_181 = tpu.vector_load %arg14[%get3A_179, %get3A_180] {strides = array<i32>} : memref<313x128xf32, #tpu.memory_space<vmem>>, vector<16xf32>,
          %get3A_182 = arith.index_cast %add3A_95 : i32 to index
          %get3A_183 = arith.constant 176 : index
          %get3A_184 = tpu.vector_load %arg26[%get3A_182, %get3A_183] {strides = array<i32>} : memref<64x256xf32, #tpu.memory_space<vmem>>, vector<16xf32>,
          %max3A_185 = arith.maximumf %get3A_181, %get3A_184 : vector<16xf32>
          %swap3A_186 = arith.index_cast %squeeze3A : i32 to index
          %swap3A_187 = arith.constant 48 : index
          %swap3A_188 = tpu.vector_load %arg14[%swap3A_186, %swap3A_187] {strides = array<i32>} : memref<313x128xf32, #tpu.memory_space<vmem>>, vector<16xf32>,
          tpu.vector_store %arg14[%swap3A_186, %swap3A_187], %max3A_185 {strides = array<i32>} : memref<313x128xf32, #tpu.memory_space<vmem>>, vector<16xf32>,
          %get3A_189 = arith.index_cast %squeeze3A : i32 to index
          %get3A_190 = arith.constant 64 : index
          %get3A_191 = tpu.vector_load %arg13[%get3A_189, %get3A_190] {strides = array<i32>} : memref<313x128xf32, #tpu.memory_space<vmem>>, vector<16xf32>,
          %get3A_192 = arith.index_cast %add3A_95 : i32 to index
          %get3A_193 = arith.constant 64 : index
          %get3A_194 = tpu.vector_load %arg26[%get3A_192, %get3A_193] {strides = array<i32>} : memref<64x256xf32, #tpu.memory_space<vmem>>, vector<16xf32>,
          %mul3A_195 = vector.broadcast %squeeze3A_101 : f32 to vector<16xf32>
          %mul3A_196 = arith.mulf %mul3A_195, %get3A_194 : vector<16xf32>
          %add3A_197 = arith.addf %get3A_191, %mul3A_196 : vector<16xf32>
          %swap3A_198 = arith.index_cast %squeeze3A : i32 to index
          %swap3A_199 = arith.constant 64 : index
          %swap3A_200 = tpu.vector_load %arg13[%swap3A_198, %swap3A_199] {strides = array<i32>} : memref<313x128xf32, #tpu.memory_space<vmem>>, vector<16xf32>,
          tpu.vector_store %arg13[%swap3A_198, %swap3A_199], %add3A_197 {strides = array<i32>} : memref<313x128xf32, #tpu.memory_space<vmem>>, vector<16xf32>,
          %get3A_201 = arith.index_cast %squeeze3A : i32 to index
          %get3A_202 = arith.constant 64 : index
          %get3A_203 = tpu.vector_load %arg14[%get3A_201, %get3A_202] {strides = array<i32>} : memref<313x128xf32, #tpu.memory_space<vmem>>, vector<16xf32>,
          %get3A_204 = arith.index_cast %add3A_95 : i32 to index
          %get3A_205 = arith.constant 192 : index
          %get3A_206 = tpu.vector_load %arg26[%get3A_204, %get3A_205] {strides = array<i32>} : memref<64x256xf32, #tpu.memory_space<vmem>>, vector<16xf32>,
          %max3A_207 = arith.maximumf %get3A_203, %get3A_206 : vector<16xf32>
          %swap3A_208 = arith.index_cast %squeeze3A : i32 to index
          %swap3A_209 = arith.constant 64 : index
          %swap3A_210 = tpu.vector_load %arg14[%swap3A_208, %swap3A_209] {strides = array<i32>} : memref<313x128xf32, #tpu.memory_space<vmem>>, vector<16xf32>,
          tpu.vector_store %arg14[%swap3A_208, %swap3A_209], %max3A_207 {strides = array<i32>} : memref<313x128xf32, #tpu.memory_space<vmem>>, vector<16xf32>,
          %get3A_211 = arith.index_cast %squeeze3A : i32 to index
          %get3A_212 = arith.constant 80 : index
          %get3A_213 = tpu.vector_load %arg13[%get3A_211, %get3A_212] {strides = array<i32>} : memref<313x128xf32, #tpu.memory_space<vmem>>, vector<16xf32>,
          %get3A_214 = arith.index_cast %add3A_95 : i32 to index
          %get3A_215 = arith.constant 80 : index
          %get3A_216 = tpu.vector_load %arg26[%get3A_214, %get3A_215] {strides = array<i32>} : memref<64x256xf32, #tpu.memory_space<vmem>>, vector<16xf32>,
          %mul3A_217 = vector.broadcast %squeeze3A_101 : f32 to vector<16xf32>
          %mul3A_218 = arith.mulf %mul3A_217, %get3A_216 : vector<16xf32>
          %add3A_219 = arith.addf %get3A_213, %mul3A_218 : vector<16xf32>
          %swap3A_220 = arith.index_cast %squeeze3A : i32 to index
          %swap3A_221 = arith.constant 80 : index
          %swap3A_222 = tpu.vector_load %arg13[%swap3A_220, %swap3A_221] {strides = array<i32>} : memref<313x128xf32, #tpu.memory_space<vmem>>, vector<16xf32>,
          tpu.vector_store %arg13[%swap3A_220, %swap3A_221], %add3A_219 {strides = array<i32>} : memref<313x128xf32, #tpu.memory_space<vmem>>, vector<16xf32>,
          %get3A_223 = arith.index_cast %squeeze3A : i32 to index
          %get3A_224 = arith.constant 80 : index
          %get3A_225 = tpu.vector_load %arg14[%get3A_223, %get3A_224] {strides = array<i32>} : memref<313x128xf32, #tpu.memory_space<vmem>>, vector<16xf32>,
          %get3A_226 = arith.index_cast %add3A_95 : i32 to index
          %get3A_227 = arith.constant 208 : index
          %get3A_228 = tpu.vector_load %arg26[%get3A_226, %get3A_227] {strides = array<i32>} : memref<64x256xf32, #tpu.memory_space<vmem>>, vector<16xf32>,
          %max3A_229 = arith.maximumf %get3A_225, %get3A_228 : vector<16xf32>
          %swap3A_230 = arith.index_cast %squeeze3A : i32 to index
          %swap3A_231 = arith.constant 80 : index
          %swap3A_232 = tpu.vector_load %arg14[%swap3A_230, %swap3A_231] {strides = array<i32>} : memref<313x128xf32, #tpu.memory_space<vmem>>, vector<16xf32>,
          tpu.vector_store %arg14[%swap3A_230, %swap3A_231], %max3A_229 {strides = array<i32>} : memref<313x128xf32, #tpu.memory_space<vmem>>, vector<16xf32>,
          %get3A_233 = arith.index_cast %squeeze3A : i32 to index
          %get3A_234 = arith.constant 96 : index
          %get3A_235 = tpu.vector_load %arg13[%get3A_233, %get3A_234] {strides = array<i32>} : memref<313x128xf32, #tpu.memory_space<vmem>>, vector<16xf32>,
          %get3A_236 = arith.index_cast %add3A_95 : i32 to index
          %get3A_237 = arith.constant 96 : index
          %get3A_238 = tpu.vector_load %arg26[%get3A_236, %get3A_237] {strides = array<i32>} : memref<64x256xf32, #tpu.memory_space<vmem>>, vector<16xf32>,
          %mul3A_239 = vector.broadcast %squeeze3A_101 : f32 to vector<16xf32>
          %mul3A_240 = arith.mulf %mul3A_239, %get3A_238 : vector<16xf32>
          %add3A_241 = arith.addf %get3A_235, %mul3A_240 : vector<16xf32>
          %swap3A_242 = arith.index_cast %squeeze3A : i32 to index
          %swap3A_243 = arith.constant 96 : index
          %swap3A_244 = tpu.vector_load %arg13[%swap3A_242, %swap3A_243] {strides = array<i32>} : memref<313x128xf32, #tpu.memory_space<vmem>>, vector<16xf32>,
          tpu.vector_store %arg13[%swap3A_242, %swap3A_243], %add3A_241 {strides = array<i32>} : memref<313x128xf32, #tpu.memory_space<vmem>>, vector<16xf32>,
          %get3A_245 = arith.index_cast %squeeze3A : i32 to index
          %get3A_246 = arith.constant 96 : index
          %get3A_247 = tpu.vector_load %arg14[%get3A_245, %get3A_246] {strides = array<i32>} : memref<313x128xf32, #tpu.memory_space<vmem>>, vector<16xf32>,
          %get3A_248 = arith.index_cast %add3A_95 : i32 to index
          %get3A_249 = arith.constant 224 : index
          %get3A_250 = tpu.vector_load %arg26[%get3A_248, %get3A_249] {strides = array<i32>} : memref<64x256xf32, #tpu.memory_space<vmem>>, vector<16xf32>,
          %max3A_251 = arith.maximumf %get3A_247, %get3A_250 : vector<16xf32>
          %swap3A_252 = arith.index_cast %squeeze3A : i32 to index
          %swap3A_253 = arith.constant 96 : index
          %swap3A_254 = tpu.vector_load %arg14[%swap3A_252, %swap3A_253] {strides = array<i32>} : memref<313x128xf32, #tpu.memory_space<vmem>>, vector<16xf32>,
          tpu.vector_store %arg14[%swap3A_252, %swap3A_253], %max3A_251 {strides = array<i32>} : memref<313x128xf32, #tpu.memory_space<vmem>>, vector<16xf32>,
          %get3A_255 = arith.index_cast %squeeze3A : i32 to index
          %get3A_256 = arith.constant 112 : index
          %get3A_257 = tpu.vector_load %arg13[%get3A_255, %get3A_256] {strides = array<i32>} : memref<313x128xf32, #tpu.memory_space<vmem>>, vector<16xf32>,
          %get3A_258 = arith.index_cast %add3A_95 : i32 to index
          %get3A_259 = arith.constant 112 : index
          %get3A_260 = tpu.vector_load %arg26[%get3A_258, %get3A_259] {strides = array<i32>} : memref<64x256xf32, #tpu.memory_space<vmem>>, vector<16xf32>,
          %mul3A_261 = vector.broadcast %squeeze3A_101 : f32 to vector<16xf32>
          %mul3A_262 = arith.mulf %mul3A_261, %get3A_260 : vector<16xf32>
          %add3A_263 = arith.addf %get3A_257, %mul3A_262 : vector<16xf32>
          %swap3A_264 = arith.index_cast %squeeze3A : i32 to index
          %swap3A_265 = arith.constant 112 : index
          %swap3A_266 = tpu.vector_load %arg13[%swap3A_264, %swap3A_265] {strides = array<i32>} : memref<313x128xf32, #tpu.memory_space<vmem>>, vector<16xf32>,
          tpu.vector_store %arg13[%swap3A_264, %swap3A_265], %add3A_263 {strides = array<i32>} : memref<313x128xf32, #tpu.memory_space<vmem>>, vector<16xf32>,
          %get3A_267 = arith.index_cast %squeeze3A : i32 to index
          %get3A_268 = arith.constant 112 : index
          %get3A_269 = tpu.vector_load %arg14[%get3A_267, %get3A_268] {strides = array<i32>} : memref<313x128xf32, #tpu.memory_space<vmem>>, vector<16xf32>,
          %get3A_270 = arith.index_cast %add3A_95 : i32 to index
          %get3A_271 = arith.constant 240 : index
          %get3A_272 = tpu.vector_load %arg26[%get3A_270, %get3A_271] {strides = array<i32>} : memref<64x256xf32, #tpu.memory_space<vmem>>, vector<16xf32>,
          %max3A_273 = arith.maximumf %get3A_269, %get3A_272 : vector<16xf32>
          %swap3A_274 = arith.index_cast %squeeze3A : i32 to index
          %swap3A_275 = arith.constant 112 : index
          %swap3A_276 = tpu.vector_load %arg14[%swap3A_274, %swap3A_275] {strides = array<i32>} : memref<313x128xf32, #tpu.memory_space<vmem>>, vector<16xf32>,
          tpu.vector_store %arg14[%swap3A_274, %swap3A_275], %max3A_273 {strides = array<i32>} : memref<313x128xf32, #tpu.memory_space<vmem>>, vector<16xf32>,
        }
      }
      %while3A_61 = arith.constant 1 : i32
      scf.for %while3A_62 = %while3A_59 to %while3A_55 step %while3A_61  : i32 {
        %mul3A_63 = arith.muli %while3A_62, %while3A : i32
        %add3A_64 = arith.addi %while3A_52, %mul3A_63 : i32
        %mul3A_65 = arith.constant 64 : i32
        %mul3A_66 = arith.muli %add3A_64, %mul3A_65 : i32
        "tpu.region"() ({
          %run_scoped3A = tpu.sem_alloc : memref<!tpu.dma_semaphore, #tpu.memory_space<semaphore_mem>>
          %dma_start3A = tpu.memref_slice %arg23[%mul3A_66] : memref<2064xi32, #tpu.memory_space<vmem>> -> memref<64xi32, #tpu.memory_space<vmem>>
          %dma_start3A_93 = arith.constant 0 : i32
          %dma_start3A_94 = arith.constant 0 : i32
          %dma_start3A_95 = tpu.memref_slice %arg7[%dma_start3A_93, %dma_start3A_94] : memref<10000x256xf32, #tpu.memory_space<hbm>> -> memref<10000x256xf32, #tpu.memory_space<hbm>>
          tpu.enqueue_indirect_dma source(%dma_start3A_95 : memref<10000x256xf32, #tpu.memory_space<hbm>>) target(%arg26 : memref<64x256xf32, #tpu.memory_space<vmem>>) offsets(%dma_start3A : memref<64xi32, #tpu.memory_space<vmem>>) semaphore(%run_scoped3A : memref<!tpu.dma_semaphore, #tpu.memory_space<semaphore_mem>>)
          %dma_wait3A = tpu.memref_slice %arg23[%mul3A_66] : memref<2064xi32, #tpu.memory_space<vmem>> -> memref<64xi32, #tpu.memory_space<vmem>>
          %dma_wait3A_96 = arith.constant 0 : i32
          %dma_wait3A_97 = arith.constant 0 : i32
          %dma_wait3A_98 = tpu.memref_slice %arg7[%dma_wait3A_96, %dma_wait3A_97] : memref<10000x256xf32, #tpu.memory_space<hbm>> -> memref<10000x256xf32, #tpu.memory_space<hbm>>
          tpu.wait_indirect_dma semaphore(%run_scoped3A : memref<!tpu.dma_semaphore, #tpu.memory_space<semaphore_mem>>) src(%dma_wait3A_98 : memref<10000x256xf32, #tpu.memory_space<hbm>>) dst(%arg26 : memref<64x256xf32, #tpu.memory_space<vmem>>)
          tpu.yield
        }) : () -> ()
        %scan3A_67 = arith.constant 0 : i32
        %scan3A_68 = arith.constant 4 : i32
        %scan3A_69 = arith.addi %scan3A_67, %scan3A_68 : i32
        %scan3A_70 = arith.constant 1 : i32
        scf.for %scan3A_93 = %scan3A_67 to %scan3A_69 step %scan3A_70  : i32 {
          %mul3A_94 = arith.constant 16 : i32
          %mul3A_95 = arith.muli %scan3A_93, %mul3A_94 : i32
          %add3A_96 = arith.constant 0 : i32
          %add3A_97 = arith.addi %add3A_96, %mul3A_95 : i32
          %add3A_98 = arith.addi %mul3A_66, %add3A_97 : i32
          %get3A = arith.index_cast %add3A_98 : i32 to index
          %get3A_99 = tpu.vector_load %arg23[%get3A] {strides = array<i32>} : memref<2064xi32, #tpu.memory_space<vmem>>, vector<16xi32>,
          %get3A_100 = arith.index_cast %add3A_98 : i32 to index
          %get3A_101 = tpu.vector_load %arg24[%get3A_100] {strides = array<i32>} : memref<2064xi32, #tpu.memory_space<vmem>>, vector<16xi32>,
          %gather3A = tpu.vector_load_idx %arg18[%get3A_99] : memref<10000xf32, #tpu.memory_space<vmem>>[vector<16xi32>], vector<16xf32>,
          %gather3A_102 = tpu.vector_load_idx %arg20[%get3A_101] : memref<320xf32, #tpu.memory_space<vmem>>[vector<16xi32>], vector<16xf32>,
          %add3A_103 = arith.addf %gather3A, %gather3A_102 : vector<16xf32>
          %mul3A_104 = arith.constant 0.00999999977 : f32
          %mul3A_105 = vector.broadcast %mul3A_104 : f32 to vector<16xf32>
          %mul3A_106 = arith.mulf %add3A_103, %mul3A_105 : vector<16xf32>
          %max3A_107 = arith.maximumf %add3A_103, %mul3A_106 : vector<16xf32>
          %exp3A = math.exp %max3A_107 : vector<16xf32>
          %add3A_108 = vector.broadcast %add3A_98 : i32 to vector<16xi32>
          %add3A_109 = arith.addi %add3A_108, %iota3A : vector<16xi32>
          %lt3A = vector.broadcast %scan3A_39 : i32 to vector<16xi32>
          %lt3A_110 = arith.cmpi slt, %add3A_109, %lt3A : vector<16xi32>
          tpu.vector_store_idx %arg15[%get3A_101], %exp3A masked %lt3A_110 {add = true} : memref<320xf32, #tpu.memory_space<vmem>>[vector<16xi32>], vector<16xf32>, vector<16xi1>
          tpu.vector_store_idx %arg16[%get3A_101], %broadcast_in_dim3A_7 masked %lt3A_110 {add = true} : memref<320xf32, #tpu.memory_space<vmem>>[vector<16xi32>], vector<16xf32>, vector<16xi1>
          %gather3A_111 = tpu.vector_load_idx %arg19[%get3A_99] : memref<10000xf32, #tpu.memory_space<vmem>>[vector<16xi32>], vector<16xf32>,
          tpu.vector_store_idx %arg17[%get3A_101], %gather3A_111 masked %lt3A_110 {add = true} : memref<320xf32, #tpu.memory_space<vmem>>[vector<16xi32>], vector<16xf32>, vector<16xi1>
          %swap3A = arith.index_cast %add3A_97 : i32 to index
          %swap3A_112 = tpu.vector_load %arg25[%swap3A] {strides = array<i32>} : memref<80xf32, #tpu.memory_space<vmem>>, vector<16xf32>,
          tpu.vector_store %arg25[%swap3A], %exp3A {strides = array<i32>} : memref<80xf32, #tpu.memory_space<vmem>>, vector<16xf32>,
        }
        %scan3A_71 = arith.constant 4 : i32
        %sub3A_72 = arith.subi %scan3A_39, %mul3A_66 : i32
        %jit3A = arith.constant 0 : i32
        %jit3A_73 = arith.constant 64 : i32
        %max3A = arith.maxsi %jit3A, %sub3A_72 : i32
        %min3A = arith.minsi %jit3A_73, %max3A : i32
        %sub3A_74 = arith.constant 0 : i32
        %sub3A_75 = arith.subi %min3A, %sub3A_74 : i32
        %sub3A_76 = arith.constant 1 : i32
        %sub3A_77 = arith.constant 1 : i32
        %sub3A_78 = arith.subi %sub3A_76, %sub3A_77 : i32
        %add3A_79 = arith.addi %sub3A_75, %sub3A_78 : i32
        %div3A_80 = arith.constant 1 : i32
        %div3A_81 = arith.divsi %add3A_79, %div3A_80 : i32
        %while3A_82 = arith.constant 1 : i32
        %while3A_83 = arith.constant 0 : i32
        %while3A_84 = arith.constant 0 : i32
        %while3A_85 = arith.subi %div3A_81, %while3A_84 : i32
        %while3A_86 = arith.addi %while3A_84, %while3A_85 : i32
        %while3A_87 = arith.constant 1 : i32
        %while3A_88 = arith.divsi %while3A_85, %while3A_87 : i32
        %while3A_89 = arith.muli %while3A_88, %while3A_87 : i32
        %while3A_90 = arith.addi %while3A_84, %while3A_89 : i32
        %while3A_91 = arith.constant 1 : i32
        scf.for %while3A_93 = %while3A_84 to %while3A_90 step %while3A_91  : i32 {
          %mul3A_94 = arith.muli %while3A_93, %while3A_82 : i32
          %add3A_95 = arith.addi %while3A_83, %mul3A_94 : i32
          %add3A_96 = arith.addi %mul3A_66, %add3A_95 : i32
          %get3A = arith.index_cast %add3A_96 : i32 to index
          %get3A_97 = tpu.vector_load %arg24[%get3A] {strides = array<i32>} : memref<2064xi32, #tpu.memory_space<vmem>>, vector<16xi32>,
          %slice3A = vector.extract_strided_slice %get3A_97 {offsets = [0], sizes = [1], strides = [1]} : vector<16xi32> to vector<1xi32>
          %squeeze3A = vector.extract %slice3A[0] : i32 from vector<1xi32>
          %get3A_98 = arith.index_cast %add3A_95 : i32 to index
          %get3A_99 = tpu.vector_load %arg25[%get3A_98] {strides = array<i32>} : memref<80xf32, #tpu.memory_space<vmem>>, vector<16xf32>,
          %slice3A_100 = vector.extract_strided_slice %get3A_99 {offsets = [0], sizes = [1], strides = [1]} : vector<16xf32> to vector<1xf32>
          %squeeze3A_101 = vector.extract %slice3A_100[0] : f32 from vector<1xf32>
          %get3A_102 = arith.index_cast %squeeze3A : i32 to index
          %get3A_103 = arith.constant 0 : index
          %get3A_104 = tpu.vector_load %arg13[%get3A_102, %get3A_103] {strides = array<i32>} : memref<313x128xf32, #tpu.memory_space<vmem>>, vector<16xf32>,
          %get3A_105 = arith.index_cast %add3A_95 : i32 to index
          %get3A_106 = arith.constant 0 : index
          %get3A_107 = tpu.vector_load %arg26[%get3A_105, %get3A_106] {strides = array<i32>} : memref<64x256xf32, #tpu.memory_space<vmem>>, vector<16xf32>,
          %mul3A_108 = vector.broadcast %squeeze3A_101 : f32 to vector<16xf32>
          %mul3A_109 = arith.mulf %mul3A_108, %get3A_107 : vector<16xf32>
          %add3A_110 = arith.addf %get3A_104, %mul3A_109 : vector<16xf32>
          %swap3A = arith.index_cast %squeeze3A : i32 to index
          %swap3A_111 = arith.constant 0 : index
          %swap3A_112 = tpu.vector_load %arg13[%swap3A, %swap3A_111] {strides = array<i32>} : memref<313x128xf32, #tpu.memory_space<vmem>>, vector<16xf32>,
          tpu.vector_store %arg13[%swap3A, %swap3A_111], %add3A_110 {strides = array<i32>} : memref<313x128xf32, #tpu.memory_space<vmem>>, vector<16xf32>,
          %get3A_113 = arith.index_cast %squeeze3A : i32 to index
          %get3A_114 = arith.constant 0 : index
          %get3A_115 = tpu.vector_load %arg14[%get3A_113, %get3A_114] {strides = array<i32>} : memref<313x128xf32, #tpu.memory_space<vmem>>, vector<16xf32>,
          %get3A_116 = arith.index_cast %add3A_95 : i32 to index
          %get3A_117 = arith.constant 128 : index
          %get3A_118 = tpu.vector_load %arg26[%get3A_116, %get3A_117] {strides = array<i32>} : memref<64x256xf32, #tpu.memory_space<vmem>>, vector<16xf32>,
          %max3A_119 = arith.maximumf %get3A_115, %get3A_118 : vector<16xf32>
          %swap3A_120 = arith.index_cast %squeeze3A : i32 to index
          %swap3A_121 = arith.constant 0 : index
          %swap3A_122 = tpu.vector_load %arg14[%swap3A_120, %swap3A_121] {strides = array<i32>} : memref<313x128xf32, #tpu.memory_space<vmem>>, vector<16xf32>,
          tpu.vector_store %arg14[%swap3A_120, %swap3A_121], %max3A_119 {strides = array<i32>} : memref<313x128xf32, #tpu.memory_space<vmem>>, vector<16xf32>,
          %get3A_123 = arith.index_cast %squeeze3A : i32 to index
          %get3A_124 = arith.constant 16 : index
          %get3A_125 = tpu.vector_load %arg13[%get3A_123, %get3A_124] {strides = array<i32>} : memref<313x128xf32, #tpu.memory_space<vmem>>, vector<16xf32>,
          %get3A_126 = arith.index_cast %add3A_95 : i32 to index
          %get3A_127 = arith.constant 16 : index
          %get3A_128 = tpu.vector_load %arg26[%get3A_126, %get3A_127] {strides = array<i32>} : memref<64x256xf32, #tpu.memory_space<vmem>>, vector<16xf32>,
          %mul3A_129 = vector.broadcast %squeeze3A_101 : f32 to vector<16xf32>
          %mul3A_130 = arith.mulf %mul3A_129, %get3A_128 : vector<16xf32>
          %add3A_131 = arith.addf %get3A_125, %mul3A_130 : vector<16xf32>
          %swap3A_132 = arith.index_cast %squeeze3A : i32 to index
          %swap3A_133 = arith.constant 16 : index
          %swap3A_134 = tpu.vector_load %arg13[%swap3A_132, %swap3A_133] {strides = array<i32>} : memref<313x128xf32, #tpu.memory_space<vmem>>, vector<16xf32>,
          tpu.vector_store %arg13[%swap3A_132, %swap3A_133], %add3A_131 {strides = array<i32>} : memref<313x128xf32, #tpu.memory_space<vmem>>, vector<16xf32>,
          %get3A_135 = arith.index_cast %squeeze3A : i32 to index
          %get3A_136 = arith.constant 16 : index
          %get3A_137 = tpu.vector_load %arg14[%get3A_135, %get3A_136] {strides = array<i32>} : memref<313x128xf32, #tpu.memory_space<vmem>>, vector<16xf32>,
          %get3A_138 = arith.index_cast %add3A_95 : i32 to index
          %get3A_139 = arith.constant 144 : index
          %get3A_140 = tpu.vector_load %arg26[%get3A_138, %get3A_139] {strides = array<i32>} : memref<64x256xf32, #tpu.memory_space<vmem>>, vector<16xf32>,
          %max3A_141 = arith.maximumf %get3A_137, %get3A_140 : vector<16xf32>
          %swap3A_142 = arith.index_cast %squeeze3A : i32 to index
          %swap3A_143 = arith.constant 16 : index
          %swap3A_144 = tpu.vector_load %arg14[%swap3A_142, %swap3A_143] {strides = array<i32>} : memref<313x128xf32, #tpu.memory_space<vmem>>, vector<16xf32>,
          tpu.vector_store %arg14[%swap3A_142, %swap3A_143], %max3A_141 {strides = array<i32>} : memref<313x128xf32, #tpu.memory_space<vmem>>, vector<16xf32>,
          %get3A_145 = arith.index_cast %squeeze3A : i32 to index
          %get3A_146 = arith.constant 32 : index
          %get3A_147 = tpu.vector_load %arg13[%get3A_145, %get3A_146] {strides = array<i32>} : memref<313x128xf32, #tpu.memory_space<vmem>>, vector<16xf32>,
          %get3A_148 = arith.index_cast %add3A_95 : i32 to index
          %get3A_149 = arith.constant 32 : index
          %get3A_150 = tpu.vector_load %arg26[%get3A_148, %get3A_149] {strides = array<i32>} : memref<64x256xf32, #tpu.memory_space<vmem>>, vector<16xf32>,
          %mul3A_151 = vector.broadcast %squeeze3A_101 : f32 to vector<16xf32>
          %mul3A_152 = arith.mulf %mul3A_151, %get3A_150 : vector<16xf32>
          %add3A_153 = arith.addf %get3A_147, %mul3A_152 : vector<16xf32>
          %swap3A_154 = arith.index_cast %squeeze3A : i32 to index
          %swap3A_155 = arith.constant 32 : index
          %swap3A_156 = tpu.vector_load %arg13[%swap3A_154, %swap3A_155] {strides = array<i32>} : memref<313x128xf32, #tpu.memory_space<vmem>>, vector<16xf32>,
          tpu.vector_store %arg13[%swap3A_154, %swap3A_155], %add3A_153 {strides = array<i32>} : memref<313x128xf32, #tpu.memory_space<vmem>>, vector<16xf32>,
          %get3A_157 = arith.index_cast %squeeze3A : i32 to index
          %get3A_158 = arith.constant 32 : index
          %get3A_159 = tpu.vector_load %arg14[%get3A_157, %get3A_158] {strides = array<i32>} : memref<313x128xf32, #tpu.memory_space<vmem>>, vector<16xf32>,
          %get3A_160 = arith.index_cast %add3A_95 : i32 to index
          %get3A_161 = arith.constant 160 : index
          %get3A_162 = tpu.vector_load %arg26[%get3A_160, %get3A_161] {strides = array<i32>} : memref<64x256xf32, #tpu.memory_space<vmem>>, vector<16xf32>,
          %max3A_163 = arith.maximumf %get3A_159, %get3A_162 : vector<16xf32>
          %swap3A_164 = arith.index_cast %squeeze3A : i32 to index
          %swap3A_165 = arith.constant 32 : index
          %swap3A_166 = tpu.vector_load %arg14[%swap3A_164, %swap3A_165] {strides = array<i32>} : memref<313x128xf32, #tpu.memory_space<vmem>>, vector<16xf32>,
          tpu.vector_store %arg14[%swap3A_164, %swap3A_165], %max3A_163 {strides = array<i32>} : memref<313x128xf32, #tpu.memory_space<vmem>>, vector<16xf32>,
          %get3A_167 = arith.index_cast %squeeze3A : i32 to index
          %get3A_168 = arith.constant 48 : index
          %get3A_169 = tpu.vector_load %arg13[%get3A_167, %get3A_168] {strides = array<i32>} : memref<313x128xf32, #tpu.memory_space<vmem>>, vector<16xf32>,
          %get3A_170 = arith.index_cast %add3A_95 : i32 to index
          %get3A_171 = arith.constant 48 : index
          %get3A_172 = tpu.vector_load %arg26[%get3A_170, %get3A_171] {strides = array<i32>} : memref<64x256xf32, #tpu.memory_space<vmem>>, vector<16xf32>,
          %mul3A_173 = vector.broadcast %squeeze3A_101 : f32 to vector<16xf32>
          %mul3A_174 = arith.mulf %mul3A_173, %get3A_172 : vector<16xf32>
          %add3A_175 = arith.addf %get3A_169, %mul3A_174 : vector<16xf32>
          %swap3A_176 = arith.index_cast %squeeze3A : i32 to index
          %swap3A_177 = arith.constant 48 : index
          %swap3A_178 = tpu.vector_load %arg13[%swap3A_176, %swap3A_177] {strides = array<i32>} : memref<313x128xf32, #tpu.memory_space<vmem>>, vector<16xf32>,
          tpu.vector_store %arg13[%swap3A_176, %swap3A_177], %add3A_175 {strides = array<i32>} : memref<313x128xf32, #tpu.memory_space<vmem>>, vector<16xf32>,
          %get3A_179 = arith.index_cast %squeeze3A : i32 to index
          %get3A_180 = arith.constant 48 : index
          %get3A_181 = tpu.vector_load %arg14[%get3A_179, %get3A_180] {strides = array<i32>} : memref<313x128xf32, #tpu.memory_space<vmem>>, vector<16xf32>,
          %get3A_182 = arith.index_cast %add3A_95 : i32 to index
          %get3A_183 = arith.constant 176 : index
          %get3A_184 = tpu.vector_load %arg26[%get3A_182, %get3A_183] {strides = array<i32>} : memref<64x256xf32, #tpu.memory_space<vmem>>, vector<16xf32>,
          %max3A_185 = arith.maximumf %get3A_181, %get3A_184 : vector<16xf32>
          %swap3A_186 = arith.index_cast %squeeze3A : i32 to index
          %swap3A_187 = arith.constant 48 : index
          %swap3A_188 = tpu.vector_load %arg14[%swap3A_186, %swap3A_187] {strides = array<i32>} : memref<313x128xf32, #tpu.memory_space<vmem>>, vector<16xf32>,
          tpu.vector_store %arg14[%swap3A_186, %swap3A_187], %max3A_185 {strides = array<i32>} : memref<313x128xf32, #tpu.memory_space<vmem>>, vector<16xf32>,
          %get3A_189 = arith.index_cast %squeeze3A : i32 to index
          %get3A_190 = arith.constant 64 : index
          %get3A_191 = tpu.vector_load %arg13[%get3A_189, %get3A_190] {strides = array<i32>} : memref<313x128xf32, #tpu.memory_space<vmem>>, vector<16xf32>,
          %get3A_192 = arith.index_cast %add3A_95 : i32 to index
          %get3A_193 = arith.constant 64 : index
          %get3A_194 = tpu.vector_load %arg26[%get3A_192, %get3A_193] {strides = array<i32>} : memref<64x256xf32, #tpu.memory_space<vmem>>, vector<16xf32>,
          %mul3A_195 = vector.broadcast %squeeze3A_101 : f32 to vector<16xf32>
          %mul3A_196 = arith.mulf %mul3A_195, %get3A_194 : vector<16xf32>
          %add3A_197 = arith.addf %get3A_191, %mul3A_196 : vector<16xf32>
          %swap3A_198 = arith.index_cast %squeeze3A : i32 to index
          %swap3A_199 = arith.constant 64 : index
          %swap3A_200 = tpu.vector_load %arg13[%swap3A_198, %swap3A_199] {strides = array<i32>} : memref<313x128xf32, #tpu.memory_space<vmem>>, vector<16xf32>,
          tpu.vector_store %arg13[%swap3A_198, %swap3A_199], %add3A_197 {strides = array<i32>} : memref<313x128xf32, #tpu.memory_space<vmem>>, vector<16xf32>,
          %get3A_201 = arith.index_cast %squeeze3A : i32 to index
          %get3A_202 = arith.constant 64 : index
          %get3A_203 = tpu.vector_load %arg14[%get3A_201, %get3A_202] {strides = array<i32>} : memref<313x128xf32, #tpu.memory_space<vmem>>, vector<16xf32>,
          %get3A_204 = arith.index_cast %add3A_95 : i32 to index
          %get3A_205 = arith.constant 192 : index
          %get3A_206 = tpu.vector_load %arg26[%get3A_204, %get3A_205] {strides = array<i32>} : memref<64x256xf32, #tpu.memory_space<vmem>>, vector<16xf32>,
          %max3A_207 = arith.maximumf %get3A_203, %get3A_206 : vector<16xf32>
          %swap3A_208 = arith.index_cast %squeeze3A : i32 to index
          %swap3A_209 = arith.constant 64 : index
          %swap3A_210 = tpu.vector_load %arg14[%swap3A_208, %swap3A_209] {strides = array<i32>} : memref<313x128xf32, #tpu.memory_space<vmem>>, vector<16xf32>,
          tpu.vector_store %arg14[%swap3A_208, %swap3A_209], %max3A_207 {strides = array<i32>} : memref<313x128xf32, #tpu.memory_space<vmem>>, vector<16xf32>,
          %get3A_211 = arith.index_cast %squeeze3A : i32 to index
          %get3A_212 = arith.constant 80 : index
          %get3A_213 = tpu.vector_load %arg13[%get3A_211, %get3A_212] {strides = array<i32>} : memref<313x128xf32, #tpu.memory_space<vmem>>, vector<16xf32>,
          %get3A_214 = arith.index_cast %add3A_95 : i32 to index
          %get3A_215 = arith.constant 80 : index
          %get3A_216 = tpu.vector_load %arg26[%get3A_214, %get3A_215] {strides = array<i32>} : memref<64x256xf32, #tpu.memory_space<vmem>>, vector<16xf32>,
          %mul3A_217 = vector.broadcast %squeeze3A_101 : f32 to vector<16xf32>
          %mul3A_218 = arith.mulf %mul3A_217, %get3A_216 : vector<16xf32>
          %add3A_219 = arith.addf %get3A_213, %mul3A_218 : vector<16xf32>
          %swap3A_220 = arith.index_cast %squeeze3A : i32 to index
          %swap3A_221 = arith.constant 80 : index
          %swap3A_222 = tpu.vector_load %arg13[%swap3A_220, %swap3A_221] {strides = array<i32>} : memref<313x128xf32, #tpu.memory_space<vmem>>, vector<16xf32>,
          tpu.vector_store %arg13[%swap3A_220, %swap3A_221], %add3A_219 {strides = array<i32>} : memref<313x128xf32, #tpu.memory_space<vmem>>, vector<16xf32>,
          %get3A_223 = arith.index_cast %squeeze3A : i32 to index
          %get3A_224 = arith.constant 80 : index
          %get3A_225 = tpu.vector_load %arg14[%get3A_223, %get3A_224] {strides = array<i32>} : memref<313x128xf32, #tpu.memory_space<vmem>>, vector<16xf32>,
          %get3A_226 = arith.index_cast %add3A_95 : i32 to index
          %get3A_227 = arith.constant 208 : index
          %get3A_228 = tpu.vector_load %arg26[%get3A_226, %get3A_227] {strides = array<i32>} : memref<64x256xf32, #tpu.memory_space<vmem>>, vector<16xf32>,
          %max3A_229 = arith.maximumf %get3A_225, %get3A_228 : vector<16xf32>
          %swap3A_230 = arith.index_cast %squeeze3A : i32 to index
          %swap3A_231 = arith.constant 80 : index
          %swap3A_232 = tpu.vector_load %arg14[%swap3A_230, %swap3A_231] {strides = array<i32>} : memref<313x128xf32, #tpu.memory_space<vmem>>, vector<16xf32>,
          tpu.vector_store %arg14[%swap3A_230, %swap3A_231], %max3A_229 {strides = array<i32>} : memref<313x128xf32, #tpu.memory_space<vmem>>, vector<16xf32>,
          %get3A_233 = arith.index_cast %squeeze3A : i32 to index
          %get3A_234 = arith.constant 96 : index
          %get3A_235 = tpu.vector_load %arg13[%get3A_233, %get3A_234] {strides = array<i32>} : memref<313x128xf32, #tpu.memory_space<vmem>>, vector<16xf32>,
          %get3A_236 = arith.index_cast %add3A_95 : i32 to index
          %get3A_237 = arith.constant 96 : index
          %get3A_238 = tpu.vector_load %arg26[%get3A_236, %get3A_237] {strides = array<i32>} : memref<64x256xf32, #tpu.memory_space<vmem>>, vector<16xf32>,
          %mul3A_239 = vector.broadcast %squeeze3A_101 : f32 to vector<16xf32>
          %mul3A_240 = arith.mulf %mul3A_239, %get3A_238 : vector<16xf32>
          %add3A_241 = arith.addf %get3A_235, %mul3A_240 : vector<16xf32>
          %swap3A_242 = arith.index_cast %squeeze3A : i32 to index
          %swap3A_243 = arith.constant 96 : index
          %swap3A_244 = tpu.vector_load %arg13[%swap3A_242, %swap3A_243] {strides = array<i32>} : memref<313x128xf32, #tpu.memory_space<vmem>>, vector<16xf32>,
          tpu.vector_store %arg13[%swap3A_242, %swap3A_243], %add3A_241 {strides = array<i32>} : memref<313x128xf32, #tpu.memory_space<vmem>>, vector<16xf32>,
          %get3A_245 = arith.index_cast %squeeze3A : i32 to index
          %get3A_246 = arith.constant 96 : index
          %get3A_247 = tpu.vector_load %arg14[%get3A_245, %get3A_246] {strides = array<i32>} : memref<313x128xf32, #tpu.memory_space<vmem>>, vector<16xf32>,
          %get3A_248 = arith.index_cast %add3A_95 : i32 to index
          %get3A_249 = arith.constant 224 : index
          %get3A_250 = tpu.vector_load %arg26[%get3A_248, %get3A_249] {strides = array<i32>} : memref<64x256xf32, #tpu.memory_space<vmem>>, vector<16xf32>,
          %max3A_251 = arith.maximumf %get3A_247, %get3A_250 : vector<16xf32>
          %swap3A_252 = arith.index_cast %squeeze3A : i32 to index
          %swap3A_253 = arith.constant 96 : index
          %swap3A_254 = tpu.vector_load %arg14[%swap3A_252, %swap3A_253] {strides = array<i32>} : memref<313x128xf32, #tpu.memory_space<vmem>>, vector<16xf32>,
          tpu.vector_store %arg14[%swap3A_252, %swap3A_253], %max3A_251 {strides = array<i32>} : memref<313x128xf32, #tpu.memory_space<vmem>>, vector<16xf32>,
          %get3A_255 = arith.index_cast %squeeze3A : i32 to index
          %get3A_256 = arith.constant 112 : index
          %get3A_257 = tpu.vector_load %arg13[%get3A_255, %get3A_256] {strides = array<i32>} : memref<313x128xf32, #tpu.memory_space<vmem>>, vector<16xf32>,
          %get3A_258 = arith.index_cast %add3A_95 : i32 to index
          %get3A_259 = arith.constant 112 : index
          %get3A_260 = tpu.vector_load %arg26[%get3A_258, %get3A_259] {strides = array<i32>} : memref<64x256xf32, #tpu.memory_space<vmem>>, vector<16xf32>,
          %mul3A_261 = vector.broadcast %squeeze3A_101 : f32 to vector<16xf32>
          %mul3A_262 = arith.mulf %mul3A_261, %get3A_260 : vector<16xf32>
          %add3A_263 = arith.addf %get3A_257, %mul3A_262 : vector<16xf32>
          %swap3A_264 = arith.index_cast %squeeze3A : i32 to index
          %swap3A_265 = arith.constant 112 : index
          %swap3A_266 = tpu.vector_load %arg13[%swap3A_264, %swap3A_265] {strides = array<i32>} : memref<313x128xf32, #tpu.memory_space<vmem>>, vector<16xf32>,
          tpu.vector_store %arg13[%swap3A_264, %swap3A_265], %add3A_263 {strides = array<i32>} : memref<313x128xf32, #tpu.memory_space<vmem>>, vector<16xf32>,
          %get3A_267 = arith.index_cast %squeeze3A : i32 to index
          %get3A_268 = arith.constant 112 : index
          %get3A_269 = tpu.vector_load %arg14[%get3A_267, %get3A_268] {strides = array<i32>} : memref<313x128xf32, #tpu.memory_space<vmem>>, vector<16xf32>,
          %get3A_270 = arith.index_cast %add3A_95 : i32 to index
          %get3A_271 = arith.constant 240 : index
          %get3A_272 = tpu.vector_load %arg26[%get3A_270, %get3A_271] {strides = array<i32>} : memref<64x256xf32, #tpu.memory_space<vmem>>, vector<16xf32>,
          %max3A_273 = arith.maximumf %get3A_269, %get3A_272 : vector<16xf32>
          %swap3A_274 = arith.index_cast %squeeze3A : i32 to index
          %swap3A_275 = arith.constant 112 : index
          %swap3A_276 = tpu.vector_load %arg14[%swap3A_274, %swap3A_275] {strides = array<i32>} : memref<313x128xf32, #tpu.memory_space<vmem>>, vector<16xf32>,
          tpu.vector_store %arg14[%swap3A_274, %swap3A_275], %max3A_273 {strides = array<i32>} : memref<313x128xf32, #tpu.memory_space<vmem>>, vector<16xf32>,
        }
        %while3A_92 = arith.constant 1 : i32
        scf.for %while3A_93 = %while3A_90 to %while3A_86 step %while3A_92  : i32 {
          %mul3A_94 = arith.muli %while3A_93, %while3A_82 : i32
          %add3A_95 = arith.addi %while3A_83, %mul3A_94 : i32
          %add3A_96 = arith.addi %mul3A_66, %add3A_95 : i32
          %get3A = arith.index_cast %add3A_96 : i32 to index
          %get3A_97 = tpu.vector_load %arg24[%get3A] {strides = array<i32>} : memref<2064xi32, #tpu.memory_space<vmem>>, vector<16xi32>,
          %slice3A = vector.extract_strided_slice %get3A_97 {offsets = [0], sizes = [1], strides = [1]} : vector<16xi32> to vector<1xi32>
          %squeeze3A = vector.extract %slice3A[0] : i32 from vector<1xi32>
          %get3A_98 = arith.index_cast %add3A_95 : i32 to index
          %get3A_99 = tpu.vector_load %arg25[%get3A_98] {strides = array<i32>} : memref<80xf32, #tpu.memory_space<vmem>>, vector<16xf32>,
          %slice3A_100 = vector.extract_strided_slice %get3A_99 {offsets = [0], sizes = [1], strides = [1]} : vector<16xf32> to vector<1xf32>
          %squeeze3A_101 = vector.extract %slice3A_100[0] : f32 from vector<1xf32>
          %get3A_102 = arith.index_cast %squeeze3A : i32 to index
          %get3A_103 = arith.constant 0 : index
          %get3A_104 = tpu.vector_load %arg13[%get3A_102, %get3A_103] {strides = array<i32>} : memref<313x128xf32, #tpu.memory_space<vmem>>, vector<16xf32>,
          %get3A_105 = arith.index_cast %add3A_95 : i32 to index
          %get3A_106 = arith.constant 0 : index
          %get3A_107 = tpu.vector_load %arg26[%get3A_105, %get3A_106] {strides = array<i32>} : memref<64x256xf32, #tpu.memory_space<vmem>>, vector<16xf32>,
          %mul3A_108 = vector.broadcast %squeeze3A_101 : f32 to vector<16xf32>
          %mul3A_109 = arith.mulf %mul3A_108, %get3A_107 : vector<16xf32>
          %add3A_110 = arith.addf %get3A_104, %mul3A_109 : vector<16xf32>
          %swap3A = arith.index_cast %squeeze3A : i32 to index
          %swap3A_111 = arith.constant 0 : index
          %swap3A_112 = tpu.vector_load %arg13[%swap3A, %swap3A_111] {strides = array<i32>} : memref<313x128xf32, #tpu.memory_space<vmem>>, vector<16xf32>,
          tpu.vector_store %arg13[%swap3A, %swap3A_111], %add3A_110 {strides = array<i32>} : memref<313x128xf32, #tpu.memory_space<vmem>>, vector<16xf32>,
          %get3A_113 = arith.index_cast %squeeze3A : i32 to index
          %get3A_114 = arith.constant 0 : index
          %get3A_115 = tpu.vector_load %arg14[%get3A_113, %get3A_114] {strides = array<i32>} : memref<313x128xf32, #tpu.memory_space<vmem>>, vector<16xf32>,
          %get3A_116 = arith.index_cast %add3A_95 : i32 to index
          %get3A_117 = arith.constant 128 : index
          %get3A_118 = tpu.vector_load %arg26[%get3A_116, %get3A_117] {strides = array<i32>} : memref<64x256xf32, #tpu.memory_space<vmem>>, vector<16xf32>,
          %max3A_119 = arith.maximumf %get3A_115, %get3A_118 : vector<16xf32>
          %swap3A_120 = arith.index_cast %squeeze3A : i32 to index
          %swap3A_121 = arith.constant 0 : index
          %swap3A_122 = tpu.vector_load %arg14[%swap3A_120, %swap3A_121] {strides = array<i32>} : memref<313x128xf32, #tpu.memory_space<vmem>>, vector<16xf32>,
          tpu.vector_store %arg14[%swap3A_120, %swap3A_121], %max3A_119 {strides = array<i32>} : memref<313x128xf32, #tpu.memory_space<vmem>>, vector<16xf32>,
          %get3A_123 = arith.index_cast %squeeze3A : i32 to index
          %get3A_124 = arith.constant 16 : index
          %get3A_125 = tpu.vector_load %arg13[%get3A_123, %get3A_124] {strides = array<i32>} : memref<313x128xf32, #tpu.memory_space<vmem>>, vector<16xf32>,
          %get3A_126 = arith.index_cast %add3A_95 : i32 to index
          %get3A_127 = arith.constant 16 : index
          %get3A_128 = tpu.vector_load %arg26[%get3A_126, %get3A_127] {strides = array<i32>} : memref<64x256xf32, #tpu.memory_space<vmem>>, vector<16xf32>,
          %mul3A_129 = vector.broadcast %squeeze3A_101 : f32 to vector<16xf32>
          %mul3A_130 = arith.mulf %mul3A_129, %get3A_128 : vector<16xf32>
          %add3A_131 = arith.addf %get3A_125, %mul3A_130 : vector<16xf32>
          %swap3A_132 = arith.index_cast %squeeze3A : i32 to index
          %swap3A_133 = arith.constant 16 : index
          %swap3A_134 = tpu.vector_load %arg13[%swap3A_132, %swap3A_133] {strides = array<i32>} : memref<313x128xf32, #tpu.memory_space<vmem>>, vector<16xf32>,
          tpu.vector_store %arg13[%swap3A_132, %swap3A_133], %add3A_131 {strides = array<i32>} : memref<313x128xf32, #tpu.memory_space<vmem>>, vector<16xf32>,
          %get3A_135 = arith.index_cast %squeeze3A : i32 to index
          %get3A_136 = arith.constant 16 : index
          %get3A_137 = tpu.vector_load %arg14[%get3A_135, %get3A_136] {strides = array<i32>} : memref<313x128xf32, #tpu.memory_space<vmem>>, vector<16xf32>,
          %get3A_138 = arith.index_cast %add3A_95 : i32 to index
          %get3A_139 = arith.constant 144 : index
          %get3A_140 = tpu.vector_load %arg26[%get3A_138, %get3A_139] {strides = array<i32>} : memref<64x256xf32, #tpu.memory_space<vmem>>, vector<16xf32>,
          %max3A_141 = arith.maximumf %get3A_137, %get3A_140 : vector<16xf32>
          %swap3A_142 = arith.index_cast %squeeze3A : i32 to index
          %swap3A_143 = arith.constant 16 : index
          %swap3A_144 = tpu.vector_load %arg14[%swap3A_142, %swap3A_143] {strides = array<i32>} : memref<313x128xf32, #tpu.memory_space<vmem>>, vector<16xf32>,
          tpu.vector_store %arg14[%swap3A_142, %swap3A_143], %max3A_141 {strides = array<i32>} : memref<313x128xf32, #tpu.memory_space<vmem>>, vector<16xf32>,
          %get3A_145 = arith.index_cast %squeeze3A : i32 to index
          %get3A_146 = arith.constant 32 : index
          %get3A_147 = tpu.vector_load %arg13[%get3A_145, %get3A_146] {strides = array<i32>} : memref<313x128xf32, #tpu.memory_space<vmem>>, vector<16xf32>,
          %get3A_148 = arith.index_cast %add3A_95 : i32 to index
          %get3A_149 = arith.constant 32 : index
          %get3A_150 = tpu.vector_load %arg26[%get3A_148, %get3A_149] {strides = array<i32>} : memref<64x256xf32, #tpu.memory_space<vmem>>, vector<16xf32>,
          %mul3A_151 = vector.broadcast %squeeze3A_101 : f32 to vector<16xf32>
          %mul3A_152 = arith.mulf %mul3A_151, %get3A_150 : vector<16xf32>
          %add3A_153 = arith.addf %get3A_147, %mul3A_152 : vector<16xf32>
          %swap3A_154 = arith.index_cast %squeeze3A : i32 to index
          %swap3A_155 = arith.constant 32 : index
          %swap3A_156 = tpu.vector_load %arg13[%swap3A_154, %swap3A_155] {strides = array<i32>} : memref<313x128xf32, #tpu.memory_space<vmem>>, vector<16xf32>,
          tpu.vector_store %arg13[%swap3A_154, %swap3A_155], %add3A_153 {strides = array<i32>} : memref<313x128xf32, #tpu.memory_space<vmem>>, vector<16xf32>,
          %get3A_157 = arith.index_cast %squeeze3A : i32 to index
          %get3A_158 = arith.constant 32 : index
          %get3A_159 = tpu.vector_load %arg14[%get3A_157, %get3A_158] {strides = array<i32>} : memref<313x128xf32, #tpu.memory_space<vmem>>, vector<16xf32>,
          %get3A_160 = arith.index_cast %add3A_95 : i32 to index
          %get3A_161 = arith.constant 160 : index
          %get3A_162 = tpu.vector_load %arg26[%get3A_160, %get3A_161] {strides = array<i32>} : memref<64x256xf32, #tpu.memory_space<vmem>>, vector<16xf32>,
          %max3A_163 = arith.maximumf %get3A_159, %get3A_162 : vector<16xf32>
          %swap3A_164 = arith.index_cast %squeeze3A : i32 to index
          %swap3A_165 = arith.constant 32 : index
          %swap3A_166 = tpu.vector_load %arg14[%swap3A_164, %swap3A_165] {strides = array<i32>} : memref<313x128xf32, #tpu.memory_space<vmem>>, vector<16xf32>,
          tpu.vector_store %arg14[%swap3A_164, %swap3A_165], %max3A_163 {strides = array<i32>} : memref<313x128xf32, #tpu.memory_space<vmem>>, vector<16xf32>,
          %get3A_167 = arith.index_cast %squeeze3A : i32 to index
          %get3A_168 = arith.constant 48 : index
          %get3A_169 = tpu.vector_load %arg13[%get3A_167, %get3A_168] {strides = array<i32>} : memref<313x128xf32, #tpu.memory_space<vmem>>, vector<16xf32>,
          %get3A_170 = arith.index_cast %add3A_95 : i32 to index
          %get3A_171 = arith.constant 48 : index
          %get3A_172 = tpu.vector_load %arg26[%get3A_170, %get3A_171] {strides = array<i32>} : memref<64x256xf32, #tpu.memory_space<vmem>>, vector<16xf32>,
          %mul3A_173 = vector.broadcast %squeeze3A_101 : f32 to vector<16xf32>
          %mul3A_174 = arith.mulf %mul3A_173, %get3A_172 : vector<16xf32>
          %add3A_175 = arith.addf %get3A_169, %mul3A_174 : vector<16xf32>
          %swap3A_176 = arith.index_cast %squeeze3A : i32 to index
          %swap3A_177 = arith.constant 48 : index
          %swap3A_178 = tpu.vector_load %arg13[%swap3A_176, %swap3A_177] {strides = array<i32>} : memref<313x128xf32, #tpu.memory_space<vmem>>, vector<16xf32>,
          tpu.vector_store %arg13[%swap3A_176, %swap3A_177], %add3A_175 {strides = array<i32>} : memref<313x128xf32, #tpu.memory_space<vmem>>, vector<16xf32>,
          %get3A_179 = arith.index_cast %squeeze3A : i32 to index
          %get3A_180 = arith.constant 48 : index
          %get3A_181 = tpu.vector_load %arg14[%get3A_179, %get3A_180] {strides = array<i32>} : memref<313x128xf32, #tpu.memory_space<vmem>>, vector<16xf32>,
          %get3A_182 = arith.index_cast %add3A_95 : i32 to index
          %get3A_183 = arith.constant 176 : index
          %get3A_184 = tpu.vector_load %arg26[%get3A_182, %get3A_183] {strides = array<i32>} : memref<64x256xf32, #tpu.memory_space<vmem>>, vector<16xf32>,
          %max3A_185 = arith.maximumf %get3A_181, %get3A_184 : vector<16xf32>
          %swap3A_186 = arith.index_cast %squeeze3A : i32 to index
          %swap3A_187 = arith.constant 48 : index
          %swap3A_188 = tpu.vector_load %arg14[%swap3A_186, %swap3A_187] {strides = array<i32>} : memref<313x128xf32, #tpu.memory_space<vmem>>, vector<16xf32>,
          tpu.vector_store %arg14[%swap3A_186, %swap3A_187], %max3A_185 {strides = array<i32>} : memref<313x128xf32, #tpu.memory_space<vmem>>, vector<16xf32>,
          %get3A_189 = arith.index_cast %squeeze3A : i32 to index
          %get3A_190 = arith.constant 64 : index
          %get3A_191 = tpu.vector_load %arg13[%get3A_189, %get3A_190] {strides = array<i32>} : memref<313x128xf32, #tpu.memory_space<vmem>>, vector<16xf32>,
          %get3A_192 = arith.index_cast %add3A_95 : i32 to index
          %get3A_193 = arith.constant 64 : index
          %get3A_194 = tpu.vector_load %arg26[%get3A_192, %get3A_193] {strides = array<i32>} : memref<64x256xf32, #tpu.memory_space<vmem>>, vector<16xf32>,
          %mul3A_195 = vector.broadcast %squeeze3A_101 : f32 to vector<16xf32>
          %mul3A_196 = arith.mulf %mul3A_195, %get3A_194 : vector<16xf32>
          %add3A_197 = arith.addf %get3A_191, %mul3A_196 : vector<16xf32>
          %swap3A_198 = arith.index_cast %squeeze3A : i32 to index
          %swap3A_199 = arith.constant 64 : index
          %swap3A_200 = tpu.vector_load %arg13[%swap3A_198, %swap3A_199] {strides = array<i32>} : memref<313x128xf32, #tpu.memory_space<vmem>>, vector<16xf32>,
          tpu.vector_store %arg13[%swap3A_198, %swap3A_199], %add3A_197 {strides = array<i32>} : memref<313x128xf32, #tpu.memory_space<vmem>>, vector<16xf32>,
          %get3A_201 = arith.index_cast %squeeze3A : i32 to index
          %get3A_202 = arith.constant 64 : index
          %get3A_203 = tpu.vector_load %arg14[%get3A_201, %get3A_202] {strides = array<i32>} : memref<313x128xf32, #tpu.memory_space<vmem>>, vector<16xf32>,
          %get3A_204 = arith.index_cast %add3A_95 : i32 to index
          %get3A_205 = arith.constant 192 : index
          %get3A_206 = tpu.vector_load %arg26[%get3A_204, %get3A_205] {strides = array<i32>} : memref<64x256xf32, #tpu.memory_space<vmem>>, vector<16xf32>,
          %max3A_207 = arith.maximumf %get3A_203, %get3A_206 : vector<16xf32>
          %swap3A_208 = arith.index_cast %squeeze3A : i32 to index
          %swap3A_209 = arith.constant 64 : index
          %swap3A_210 = tpu.vector_load %arg14[%swap3A_208, %swap3A_209] {strides = array<i32>} : memref<313x128xf32, #tpu.memory_space<vmem>>, vector<16xf32>,
          tpu.vector_store %arg14[%swap3A_208, %swap3A_209], %max3A_207 {strides = array<i32>} : memref<313x128xf32, #tpu.memory_space<vmem>>, vector<16xf32>,
          %get3A_211 = arith.index_cast %squeeze3A : i32 to index
          %get3A_212 = arith.constant 80 : index
          %get3A_213 = tpu.vector_load %arg13[%get3A_211, %get3A_212] {strides = array<i32>} : memref<313x128xf32, #tpu.memory_space<vmem>>, vector<16xf32>,
          %get3A_214 = arith.index_cast %add3A_95 : i32 to index
          %get3A_215 = arith.constant 80 : index
          %get3A_216 = tpu.vector_load %arg26[%get3A_214, %get3A_215] {strides = array<i32>} : memref<64x256xf32, #tpu.memory_space<vmem>>, vector<16xf32>,
          %mul3A_217 = vector.broadcast %squeeze3A_101 : f32 to vector<16xf32>
          %mul3A_218 = arith.mulf %mul3A_217, %get3A_216 : vector<16xf32>
          %add3A_219 = arith.addf %get3A_213, %mul3A_218 : vector<16xf32>
          %swap3A_220 = arith.index_cast %squeeze3A : i32 to index
          %swap3A_221 = arith.constant 80 : index
          %swap3A_222 = tpu.vector_load %arg13[%swap3A_220, %swap3A_221] {strides = array<i32>} : memref<313x128xf32, #tpu.memory_space<vmem>>, vector<16xf32>,
          tpu.vector_store %arg13[%swap3A_220, %swap3A_221], %add3A_219 {strides = array<i32>} : memref<313x128xf32, #tpu.memory_space<vmem>>, vector<16xf32>,
          %get3A_223 = arith.index_cast %squeeze3A : i32 to index
          %get3A_224 = arith.constant 80 : index
          %get3A_225 = tpu.vector_load %arg14[%get3A_223, %get3A_224] {strides = array<i32>} : memref<313x128xf32, #tpu.memory_space<vmem>>, vector<16xf32>,
          %get3A_226 = arith.index_cast %add3A_95 : i32 to index
          %get3A_227 = arith.constant 208 : index
          %get3A_228 = tpu.vector_load %arg26[%get3A_226, %get3A_227] {strides = array<i32>} : memref<64x256xf32, #tpu.memory_space<vmem>>, vector<16xf32>,
          %max3A_229 = arith.maximumf %get3A_225, %get3A_228 : vector<16xf32>
          %swap3A_230 = arith.index_cast %squeeze3A : i32 to index
          %swap3A_231 = arith.constant 80 : index
          %swap3A_232 = tpu.vector_load %arg14[%swap3A_230, %swap3A_231] {strides = array<i32>} : memref<313x128xf32, #tpu.memory_space<vmem>>, vector<16xf32>,
          tpu.vector_store %arg14[%swap3A_230, %swap3A_231], %max3A_229 {strides = array<i32>} : memref<313x128xf32, #tpu.memory_space<vmem>>, vector<16xf32>,
          %get3A_233 = arith.index_cast %squeeze3A : i32 to index
          %get3A_234 = arith.constant 96 : index
          %get3A_235 = tpu.vector_load %arg13[%get3A_233, %get3A_234] {strides = array<i32>} : memref<313x128xf32, #tpu.memory_space<vmem>>, vector<16xf32>,
          %get3A_236 = arith.index_cast %add3A_95 : i32 to index
          %get3A_237 = arith.constant 96 : index
          %get3A_238 = tpu.vector_load %arg26[%get3A_236, %get3A_237] {strides = array<i32>} : memref<64x256xf32, #tpu.memory_space<vmem>>, vector<16xf32>,
          %mul3A_239 = vector.broadcast %squeeze3A_101 : f32 to vector<16xf32>
          %mul3A_240 = arith.mulf %mul3A_239, %get3A_238 : vector<16xf32>
          %add3A_241 = arith.addf %get3A_235, %mul3A_240 : vector<16xf32>
          %swap3A_242 = arith.index_cast %squeeze3A : i32 to index
          %swap3A_243 = arith.constant 96 : index
          %swap3A_244 = tpu.vector_load %arg13[%swap3A_242, %swap3A_243] {strides = array<i32>} : memref<313x128xf32, #tpu.memory_space<vmem>>, vector<16xf32>,
          tpu.vector_store %arg13[%swap3A_242, %swap3A_243], %add3A_241 {strides = array<i32>} : memref<313x128xf32, #tpu.memory_space<vmem>>, vector<16xf32>,
          %get3A_245 = arith.index_cast %squeeze3A : i32 to index
          %get3A_246 = arith.constant 96 : index
          %get3A_247 = tpu.vector_load %arg14[%get3A_245, %get3A_246] {strides = array<i32>} : memref<313x128xf32, #tpu.memory_space<vmem>>, vector<16xf32>,
          %get3A_248 = arith.index_cast %add3A_95 : i32 to index
          %get3A_249 = arith.constant 224 : index
          %get3A_250 = tpu.vector_load %arg26[%get3A_248, %get3A_249] {strides = array<i32>} : memref<64x256xf32, #tpu.memory_space<vmem>>, vector<16xf32>,
          %max3A_251 = arith.maximumf %get3A_247, %get3A_250 : vector<16xf32>
          %swap3A_252 = arith.index_cast %squeeze3A : i32 to index
          %swap3A_253 = arith.constant 96 : index
          %swap3A_254 = tpu.vector_load %arg14[%swap3A_252, %swap3A_253] {strides = array<i32>} : memref<313x128xf32, #tpu.memory_space<vmem>>, vector<16xf32>,
          tpu.vector_store %arg14[%swap3A_252, %swap3A_253], %max3A_251 {strides = array<i32>} : memref<313x128xf32, #tpu.memory_space<vmem>>, vector<16xf32>,
          %get3A_255 = arith.index_cast %squeeze3A : i32 to index
          %get3A_256 = arith.constant 112 : index
          %get3A_257 = tpu.vector_load %arg13[%get3A_255, %get3A_256] {strides = array<i32>} : memref<313x128xf32, #tpu.memory_space<vmem>>, vector<16xf32>,
          %get3A_258 = arith.index_cast %add3A_95 : i32 to index
          %get3A_259 = arith.constant 112 : index
          %get3A_260 = tpu.vector_load %arg26[%get3A_258, %get3A_259] {strides = array<i32>} : memref<64x256xf32, #tpu.memory_space<vmem>>, vector<16xf32>,
          %mul3A_261 = vector.broadcast %squeeze3A_101 : f32 to vector<16xf32>
          %mul3A_262 = arith.mulf %mul3A_261, %get3A_260 : vector<16xf32>
          %add3A_263 = arith.addf %get3A_257, %mul3A_262 : vector<16xf32>
          %swap3A_264 = arith.index_cast %squeeze3A : i32 to index
          %swap3A_265 = arith.constant 112 : index
          %swap3A_266 = tpu.vector_load %arg13[%swap3A_264, %swap3A_265] {strides = array<i32>} : memref<313x128xf32, #tpu.memory_space<vmem>>, vector<16xf32>,
          tpu.vector_store %arg13[%swap3A_264, %swap3A_265], %add3A_263 {strides = array<i32>} : memref<313x128xf32, #tpu.memory_space<vmem>>, vector<16xf32>,
          %get3A_267 = arith.index_cast %squeeze3A : i32 to index
          %get3A_268 = arith.constant 112 : index
          %get3A_269 = tpu.vector_load %arg14[%get3A_267, %get3A_268] {strides = array<i32>} : memref<313x128xf32, #tpu.memory_space<vmem>>, vector<16xf32>,
          %get3A_270 = arith.index_cast %add3A_95 : i32 to index
          %get3A_271 = arith.constant 240 : index
          %get3A_272 = tpu.vector_load %arg26[%get3A_270, %get3A_271] {strides = array<i32>} : memref<64x256xf32, #tpu.memory_space<vmem>>, vector<16xf32>,
          %max3A_273 = arith.maximumf %get3A_269, %get3A_272 : vector<16xf32>
          %swap3A_274 = arith.index_cast %squeeze3A : i32 to index
          %swap3A_275 = arith.constant 112 : index
          %swap3A_276 = tpu.vector_load %arg14[%swap3A_274, %swap3A_275] {strides = array<i32>} : memref<313x128xf32, #tpu.memory_space<vmem>>, vector<16xf32>,
          tpu.vector_store %arg14[%swap3A_274, %swap3A_275], %max3A_273 {strides = array<i32>} : memref<313x128xf32, #tpu.memory_space<vmem>>, vector<16xf32>,
        }
      }
    }
    %scan3A_26 = arith.constant 160 : i32
    "tpu.region"() ({
      %run_scoped3A = tpu.sem_alloc : memref<!tpu.dma_semaphore, #tpu.memory_space<semaphore_mem>>
      %dma_start3A = arith.constant 0 : i32
      %dma_start3A_27 = arith.constant 0 : i32
      %dma_start3A_28 = tpu.memref_slice %arg8[%add3A, %dma_start3A, %dma_start3A_27] : memref<32x313x128xf32, #tpu.memory_space<hbm>> -> memref<1x313x128xf32, #tpu.memory_space<hbm>>
      %dma_start3A_29 = tpu.memref_squeeze %dma_start3A_28 : memref<1x313x128xf32, #tpu.memory_space<hbm>> -> memref<313x128xf32, #tpu.memory_space<hbm>>
      %dma_start3A_30 = arith.constant 0 : i32
      %dma_start3A_31 = arith.constant 0 : i32
      %dma_start3A_32 = tpu.memref_slice %arg8[%add3A, %dma_start3A_30, %dma_start3A_31] : memref<32x313x128xf32, #tpu.memory_space<hbm>> -> memref<1x313x128xf32, #tpu.memory_space<hbm>>
      %dma_start3A_33 = tpu.memref_squeeze %dma_start3A_32 : memref<1x313x128xf32, #tpu.memory_space<hbm>> -> memref<313x128xf32, #tpu.memory_space<hbm>>
      tpu.enqueue_dma source(%arg13 : memref<313x128xf32, #tpu.memory_space<vmem>>) target(%dma_start3A_33 : memref<313x128xf32, #tpu.memory_space<hbm>>) target_semaphore(%run_scoped3A : memref<!tpu.dma_semaphore, #tpu.memory_space<semaphore_mem>>)
      %dma_wait3A = arith.constant 0 : i32
      %dma_wait3A_34 = arith.constant 0 : i32
      %dma_wait3A_35 = tpu.memref_slice %arg8[%add3A, %dma_wait3A, %dma_wait3A_34] : memref<32x313x128xf32, #tpu.memory_space<hbm>> -> memref<1x313x128xf32, #tpu.memory_space<hbm>>
      %dma_wait3A_36 = tpu.memref_squeeze %dma_wait3A_35 : memref<1x313x128xf32, #tpu.memory_space<hbm>> -> memref<313x128xf32, #tpu.memory_space<hbm>>
      %dma_wait3A_37 = arith.constant 0 : i32
      %dma_wait3A_38 = arith.constant 0 : i32
      %dma_wait3A_39 = tpu.memref_slice %arg8[%add3A, %dma_wait3A_37, %dma_wait3A_38] : memref<32x313x128xf32, #tpu.memory_space<hbm>> -> memref<1x313x128xf32, #tpu.memory_space<hbm>>
      %dma_wait3A_40 = tpu.memref_squeeze %dma_wait3A_39 : memref<1x313x128xf32, #tpu.memory_space<hbm>> -> memref<313x128xf32, #tpu.memory_space<hbm>>
      tpu.wait_dma2 semaphore(%run_scoped3A : memref<!tpu.dma_semaphore, #tpu.memory_space<semaphore_mem>>) src(%arg13 : memref<313x128xf32, #tpu.memory_space<vmem>>) dst(%dma_wait3A_40 : memref<313x128xf32, #tpu.memory_space<hbm>>)
      tpu.yield
    }) : () -> ()
    "tpu.region"() ({
      %run_scoped3A = tpu.sem_alloc : memref<!tpu.dma_semaphore, #tpu.memory_space<semaphore_mem>>
      %dma_start3A = arith.constant 0 : i32
      %dma_start3A_27 = arith.constant 0 : i32
      %dma_start3A_28 = tpu.memref_slice %arg9[%add3A, %dma_start3A, %dma_start3A_27] : memref<32x313x128xf32, #tpu.memory_space<hbm>> -> memref<1x313x128xf32, #tpu.memory_space<hbm>>
      %dma_start3A_29 = tpu.memref_squeeze %dma_start3A_28 : memref<1x313x128xf32, #tpu.memory_space<hbm>> -> memref<313x128xf32, #tpu.memory_space<hbm>>
      %dma_start3A_30 = arith.constant 0 : i32
      %dma_start3A_31 = arith.constant 0 : i32
      %dma_start3A_32 = tpu.memref_slice %arg9[%add3A, %dma_start3A_30, %dma_start3A_31] : memref<32x313x128xf32, #tpu.memory_space<hbm>> -> memref<1x313x128xf32, #tpu.memory_space<hbm>>
      %dma_start3A_33 = tpu.memref_squeeze %dma_start3A_32 : memref<1x313x128xf32, #tpu.memory_space<hbm>> -> memref<313x128xf32, #tpu.memory_space<hbm>>
      tpu.enqueue_dma source(%arg14 : memref<313x128xf32, #tpu.memory_space<vmem>>) target(%dma_start3A_33 : memref<313x128xf32, #tpu.memory_space<hbm>>) target_semaphore(%run_scoped3A : memref<!tpu.dma_semaphore, #tpu.memory_space<semaphore_mem>>)
      %dma_wait3A = arith.constant 0 : i32
      %dma_wait3A_34 = arith.constant 0 : i32
      %dma_wait3A_35 = tpu.memref_slice %arg9[%add3A, %dma_wait3A, %dma_wait3A_34] : memref<32x313x128xf32, #tpu.memory_space<hbm>> -> memref<1x313x128xf32, #tpu.memory_space<hbm>>
      %dma_wait3A_36 = tpu.memref_squeeze %dma_wait3A_35 : memref<1x313x128xf32, #tpu.memory_space<hbm>> -> memref<313x128xf32, #tpu.memory_space<hbm>>
      %dma_wait3A_37 = arith.constant 0 : i32
      %dma_wait3A_38 = arith.constant 0 : i32
      %dma_wait3A_39 = tpu.memref_slice %arg9[%add3A, %dma_wait3A_37, %dma_wait3A_38] : memref<32x313x128xf32, #tpu.memory_space<hbm>> -> memref<1x313x128xf32, #tpu.memory_space<hbm>>
      %dma_wait3A_40 = tpu.memref_squeeze %dma_wait3A_39 : memref<1x313x128xf32, #tpu.memory_space<hbm>> -> memref<313x128xf32, #tpu.memory_space<hbm>>
      tpu.wait_dma2 semaphore(%run_scoped3A : memref<!tpu.dma_semaphore, #tpu.memory_space<semaphore_mem>>) src(%arg14 : memref<313x128xf32, #tpu.memory_space<vmem>>) dst(%dma_wait3A_40 : memref<313x128xf32, #tpu.memory_space<hbm>>)
      tpu.yield
    }) : () -> ()
    "tpu.region"() ({
      %run_scoped3A = tpu.sem_alloc : memref<!tpu.dma_semaphore, #tpu.memory_space<semaphore_mem>>
      %dma_start3A = arith.constant 0 : i32
      %dma_start3A_27 = tpu.memref_slice %arg10[%add3A, %dma_start3A] : memref<32x320xf32, #tpu.memory_space<hbm>> -> memref<1x320xf32, #tpu.memory_space<hbm>>
      %dma_start3A_28 = tpu.memref_squeeze %dma_start3A_27 : memref<1x320xf32, #tpu.memory_space<hbm>> -> memref<320xf32, #tpu.memory_space<hbm>>
      %dma_start3A_29 = arith.constant 0 : i32
      %dma_start3A_30 = tpu.memref_slice %arg10[%add3A, %dma_start3A_29] : memref<32x320xf32, #tpu.memory_space<hbm>> -> memref<1x320xf32, #tpu.memory_space<hbm>>
      %dma_start3A_31 = tpu.memref_squeeze %dma_start3A_30 : memref<1x320xf32, #tpu.memory_space<hbm>> -> memref<320xf32, #tpu.memory_space<hbm>>
      tpu.enqueue_dma source(%arg15 : memref<320xf32, #tpu.memory_space<vmem>>) target(%dma_start3A_31 : memref<320xf32, #tpu.memory_space<hbm>>) target_semaphore(%run_scoped3A : memref<!tpu.dma_semaphore, #tpu.memory_space<semaphore_mem>>)
      %dma_wait3A = arith.constant 0 : i32
      %dma_wait3A_32 = tpu.memref_slice %arg10[%add3A, %dma_wait3A] : memref<32x320xf32, #tpu.memory_space<hbm>> -> memref<1x320xf32, #tpu.memory_space<hbm>>
      %dma_wait3A_33 = tpu.memref_squeeze %dma_wait3A_32 : memref<1x320xf32, #tpu.memory_space<hbm>> -> memref<320xf32, #tpu.memory_space<hbm>>
      %dma_wait3A_34 = arith.constant 0 : i32
      %dma_wait3A_35 = tpu.memref_slice %arg10[%add3A, %dma_wait3A_34] : memref<32x320xf32, #tpu.memory_space<hbm>> -> memref<1x320xf32, #tpu.memory_space<hbm>>
      %dma_wait3A_36 = tpu.memref_squeeze %dma_wait3A_35 : memref<1x320xf32, #tpu.memory_space<hbm>> -> memref<320xf32, #tpu.memory_space<hbm>>
      tpu.wait_dma2 semaphore(%run_scoped3A : memref<!tpu.dma_semaphore, #tpu.memory_space<semaphore_mem>>) src(%arg15 : memref<320xf32, #tpu.memory_space<vmem>>) dst(%dma_wait3A_36 : memref<320xf32, #tpu.memory_space<hbm>>)
      tpu.yield
    }) : () -> ()
    "tpu.region"() ({
      %run_scoped3A = tpu.sem_alloc : memref<!tpu.dma_semaphore, #tpu.memory_space<semaphore_mem>>
      %dma_start3A = arith.constant 0 : i32
      %dma_start3A_27 = tpu.memref_slice %arg11[%add3A, %dma_start3A] : memref<32x320xf32, #tpu.memory_space<hbm>> -> memref<1x320xf32, #tpu.memory_space<hbm>>
      %dma_start3A_28 = tpu.memref_squeeze %dma_start3A_27 : memref<1x320xf32, #tpu.memory_space<hbm>> -> memref<320xf32, #tpu.memory_space<hbm>>
      %dma_start3A_29 = arith.constant 0 : i32
      %dma_start3A_30 = tpu.memref_slice %arg11[%add3A, %dma_start3A_29] : memref<32x320xf32, #tpu.memory_space<hbm>> -> memref<1x320xf32, #tpu.memory_space<hbm>>
      %dma_start3A_31 = tpu.memref_squeeze %dma_start3A_30 : memref<1x320xf32, #tpu.memory_space<hbm>> -> memref<320xf32, #tpu.memory_space<hbm>>
      tpu.enqueue_dma source(%arg16 : memref<320xf32, #tpu.memory_space<vmem>>) target(%dma_start3A_31 : memref<320xf32, #tpu.memory_space<hbm>>) target_semaphore(%run_scoped3A : memref<!tpu.dma_semaphore, #tpu.memory_space<semaphore_mem>>)
      %dma_wait3A = arith.constant 0 : i32
      %dma_wait3A_32 = tpu.memref_slice %arg11[%add3A, %dma_wait3A] : memref<32x320xf32, #tpu.memory_space<hbm>> -> memref<1x320xf32, #tpu.memory_space<hbm>>
      %dma_wait3A_33 = tpu.memref_squeeze %dma_wait3A_32 : memref<1x320xf32, #tpu.memory_space<hbm>> -> memref<320xf32, #tpu.memory_space<hbm>>
      %dma_wait3A_34 = arith.constant 0 : i32
      %dma_wait3A_35 = tpu.memref_slice %arg11[%add3A, %dma_wait3A_34] : memref<32x320xf32, #tpu.memory_space<hbm>> -> memref<1x320xf32, #tpu.memory_space<hbm>>
      %dma_wait3A_36 = tpu.memref_squeeze %dma_wait3A_35 : memref<1x320xf32, #tpu.memory_space<hbm>> -> memref<320xf32, #tpu.memory_space<hbm>>
      tpu.wait_dma2 semaphore(%run_scoped3A : memref<!tpu.dma_semaphore, #tpu.memory_space<semaphore_mem>>) src(%arg16 : memref<320xf32, #tpu.memory_space<vmem>>) dst(%dma_wait3A_36 : memref<320xf32, #tpu.memory_space<hbm>>)
      tpu.yield
    }) : () -> ()
    "tpu.region"() ({
      %run_scoped3A = tpu.sem_alloc : memref<!tpu.dma_semaphore, #tpu.memory_space<semaphore_mem>>
      %dma_start3A = arith.constant 0 : i32
      %dma_start3A_27 = tpu.memref_slice %arg12[%add3A, %dma_start3A] : memref<32x320xf32, #tpu.memory_space<hbm>> -> memref<1x320xf32, #tpu.memory_space<hbm>>
      %dma_start3A_28 = tpu.memref_squeeze %dma_start3A_27 : memref<1x320xf32, #tpu.memory_space<hbm>> -> memref<320xf32, #tpu.memory_space<hbm>>
      %dma_start3A_29 = arith.constant 0 : i32
      %dma_start3A_30 = tpu.memref_slice %arg12[%add3A, %dma_start3A_29] : memref<32x320xf32, #tpu.memory_space<hbm>> -> memref<1x320xf32, #tpu.memory_space<hbm>>
      %dma_start3A_31 = tpu.memref_squeeze %dma_start3A_30 : memref<1x320xf32, #tpu.memory_space<hbm>> -> memref<320xf32, #tpu.memory_space<hbm>>
      tpu.enqueue_dma source(%arg17 : memref<320xf32, #tpu.memory_space<vmem>>) target(%dma_start3A_31 : memref<320xf32, #tpu.memory_space<hbm>>) target_semaphore(%run_scoped3A : memref<!tpu.dma_semaphore, #tpu.memory_space<semaphore_mem>>)
      %dma_wait3A = arith.constant 0 : i32
      %dma_wait3A_32 = tpu.memref_slice %arg12[%add3A, %dma_wait3A] : memref<32x320xf32, #tpu.memory_space<hbm>> -> memref<1x320xf32, #tpu.memory_space<hbm>>
      %dma_wait3A_33 = tpu.memref_squeeze %dma_wait3A_32 : memref<1x320xf32, #tpu.memory_space<hbm>> -> memref<320xf32, #tpu.memory_space<hbm>>
      %dma_wait3A_34 = arith.constant 0 : i32
      %dma_wait3A_35 = tpu.memref_slice %arg12[%add3A, %dma_wait3A_34] : memref<32x320xf32, #tpu.memory_space<hbm>> -> memref<1x320xf32, #tpu.memory_space<hbm>>
      %dma_wait3A_36 = tpu.memref_squeeze %dma_wait3A_35 : memref<1x320xf32, #tpu.memory_space<hbm>> -> memref<320xf32, #tpu.memory_space<hbm>>
      tpu.wait_dma2 semaphore(%run_scoped3A : memref<!tpu.dma_semaphore, #tpu.memory_space<semaphore_mem>>) src(%arg17 : memref<320xf32, #tpu.memory_space<vmem>>) dst(%dma_wait3A_36 : memref<320xf32, #tpu.memory_space<hbm>>)
      tpu.yield
    }) : () -> ()
    return
  }
}

module attributes {stable_mosaic.version = 14 : i64} {
  func.func @_pre_body(%arg0: i32, %arg1: memref<1000x128xf32, #tpu.memory_space<vmem>>, %arg2: memref<1000x128xf32, #tpu.memory_space<vmem>>, %arg3: memref<128x128xf32, #tpu.memory_space<vmem>>, %arg4: memref<8x128xf32, #tpu.memory_space<vmem>>, %arg5: memref<1000x256xf32, #tpu.memory_space<vmem>>, %arg6: memref<1000x8xf32, #tpu.memory_space<vmem>>) attributes {dimension_semantics = [#tpu.dimension_semantics<arbitrary>], iteration_bounds = array<i64: 10>, scalar_prefetch = 0 : i64, scratch_operands = 0 : i64, tpu.core_type = #tpu.core_type<tc>, window_params = [{transform_indices = @transform_0, window_bounds = array<i64: 1000, 128>}, {transform_indices = @transform_1, window_bounds = array<i64: 1000, 128>}, {pipeline_mode = #tpu.pipeline_mode<synchronous>, transform_indices = @transform_2, window_bounds = array<i64: 128, 128>}, {pipeline_mode = #tpu.pipeline_mode<synchronous>, transform_indices = @transform_3, window_bounds = array<i64: 8, 128>}, {transform_indices = @transform_4, window_bounds = array<i64: 1000, 256>}, {transform_indices = @transform_5, window_bounds = array<i64: 1000, 8>}]} {
    %get3A = arith.constant 0 : index
    %get3A_0 = arith.constant 0 : index
    %get3A_1 = vector.load %arg1[%get3A, %get3A_0] : memref<1000x128xf32, #tpu.memory_space<vmem>>, vector<1000x128xf32>
    %get3A_2 = arith.constant 0 : index
    %get3A_3 = arith.constant 0 : index
    %get3A_4 = vector.load %arg3[%get3A_2, %get3A_3] : memref<128x128xf32, #tpu.memory_space<vmem>>, vector<128x128xf32>
    %dot_general3A = arith.constant dense<0.000000e+00> : vector<1000x128xf32>
    %dot_general3A_5 = tpu.matmul %get3A_1, %get3A_4, %dot_general3A {dimension_numbers = #tpu.dot_dimension_numbers<[1], [1], [0], [0], [0, 0, 1, 0], [], []>, transpose_lhs_hint = false} : vector<1000x128xf32>, vector<128x128xf32>, vector<1000x128xf32> -> vector<1000x128xf32>
    %get3A_6 = arith.constant 0 : index
    %get3A_7 = arith.constant 0 : index
    %get3A_8 = vector.load %arg2[%get3A_6, %get3A_7] : memref<1000x128xf32, #tpu.memory_space<vmem>>, vector<1000x128xf32>
    %swap3A = arith.constant 0 : index
    %swap3A_9 = arith.constant 0 : index
    %swap3A_10 = vector.load %arg5[%swap3A, %swap3A_9] : memref<1000x256xf32, #tpu.memory_space<vmem>>, vector<1000x128xf32>
    tpu.vector_store %arg5[%swap3A, %swap3A_9], %get3A_8 {strides = array<i32>} : memref<1000x256xf32, #tpu.memory_space<vmem>>, vector<1000x128xf32>,
    %swap3A_11 = arith.constant 0 : index
    %swap3A_12 = arith.constant 128 : index
    %swap3A_13 = vector.load %arg5[%swap3A_11, %swap3A_12] : memref<1000x256xf32, #tpu.memory_space<vmem>>, vector<1000x128xf32>
    tpu.vector_store %arg5[%swap3A_11, %swap3A_12], %dot_general3A_5 {strides = array<i32>} : memref<1000x256xf32, #tpu.memory_space<vmem>>, vector<1000x128xf32>,
    %get3A_14 = arith.constant 0 : index
    %get3A_15 = arith.constant 0 : index
    %get3A_16 = vector.load %arg4[%get3A_14, %get3A_15] : memref<8x128xf32, #tpu.memory_space<vmem>>, vector<8x128xf32>
    %dot_general3A_17 = arith.constant dense<0.000000e+00> : vector<1000x8xf32>
    %dot_general3A_18 = tpu.matmul %get3A_1, %get3A_16, %dot_general3A_17 {dimension_numbers = #tpu.dot_dimension_numbers<[1], [1], [0], [0], [0, 0, 1, 0], [], []>, transpose_lhs_hint = false} : vector<1000x128xf32>, vector<8x128xf32>, vector<1000x8xf32> -> vector<1000x8xf32>
    %swap3A_19 = arith.constant 0 : index
    %swap3A_20 = arith.constant 0 : index
    %swap3A_21 = vector.load %arg6[%swap3A_19, %swap3A_20] : memref<1000x8xf32, #tpu.memory_space<vmem>>, vector<1000x8xf32>
    tpu.vector_store %arg6[%swap3A_19, %swap3A_20], %dot_general3A_18 {strides = array<i32>} : memref<1000x8xf32, #tpu.memory_space<vmem>>, vector<1000x8xf32>,
    return
  }
  func.func @transform_0(%arg0: i32) -> (i32, i32) {
    %c0_i32 = arith.constant 0 : i32
    %c0_i32_0 = arith.constant 0 : i32
    return %arg0, %c0_i32 : i32, i32
  }
  func.func @transform_1(%arg0: i32) -> (i32, i32) {
    %c0_i32 = arith.constant 0 : i32
    %c0_i32_0 = arith.constant 0 : i32
    return %arg0, %c0_i32 : i32, i32
  }
  func.func @transform_2(%arg0: i32) -> (i32, i32) {
    %c0_i32 = arith.constant 0 : i32
    %c0_i32_0 = arith.constant 0 : i32
    %c0_i32_1 = arith.constant 0 : i32
    return %c0_i32, %c0_i32_0 : i32, i32
  }
  func.func @transform_3(%arg0: i32) -> (i32, i32) {
    %c0_i32 = arith.constant 0 : i32
    %c0_i32_0 = arith.constant 0 : i32
    %c0_i32_1 = arith.constant 0 : i32
    return %c0_i32, %c0_i32_0 : i32, i32
  }
  func.func @transform_4(%arg0: i32) -> (i32, i32) {
    %c0_i32 = arith.constant 0 : i32
    %c0_i32_0 = arith.constant 0 : i32
    return %arg0, %c0_i32 : i32, i32
  }
  func.func @transform_5(%arg0: i32) -> (i32, i32) {
    %c0_i32 = arith.constant 0 : i32
    %c0_i32_0 = arith.constant 0 : i32
    return %arg0, %c0_i32 : i32, i32
  }
}

module attributes {stable_mosaic.version = 14 : i64} {
  func.func @_post_body(%arg0: i32, %arg1: memref<1000x128xf32, #tpu.memory_space<vmem>>, %arg2: memref<1000x128xf32, #tpu.memory_space<vmem>>, %arg3: memref<1000x128xf32, #tpu.memory_space<vmem>>, %arg4: memref<1000x1xf32, #tpu.memory_space<vmem>>, %arg5: memref<1000x1xf32, #tpu.memory_space<vmem>>, %arg6: memref<1000x1xf32, #tpu.memory_space<vmem>>, %arg7: memref<1000x1xf32, #tpu.memory_space<vmem>>, %arg8: memref<1x128xf32, #tpu.memory_space<vmem>>, %arg9: memref<1000x128xf32, #tpu.memory_space<vmem>>) attributes {dimension_semantics = [#tpu.dimension_semantics<arbitrary>], iteration_bounds = array<i64: 10>, scalar_prefetch = 0 : i64, scratch_operands = 0 : i64, tpu.core_type = #tpu.core_type<tc>, window_params = [{transform_indices = @transform_0, window_bounds = array<i64: 1000, 128>}, {transform_indices = @transform_1, window_bounds = array<i64: 1000, 128>}, {transform_indices = @transform_2, window_bounds = array<i64: 1000, 128>}, {transform_indices = @transform_3, window_bounds = array<i64: 1000, 1>}, {transform_indices = @transform_4, window_bounds = array<i64: 1000, 1>}, {transform_indices = @transform_5, window_bounds = array<i64: 1000, 1>}, {transform_indices = @transform_6, window_bounds = array<i64: 1000, 1>}, {pipeline_mode = #tpu.pipeline_mode<synchronous>, transform_indices = @transform_7, window_bounds = array<i64: 1, 128>}, {transform_indices = @transform_8, window_bounds = array<i64: 1000, 128>}]} {
    %get3A = arith.constant 0 : index
    %get3A_0 = arith.constant 0 : index
    %get3A_1 = vector.load %arg4[%get3A, %get3A_0] : memref<1000x1xf32, #tpu.memory_space<vmem>>, vector<1000x1xf32>
    %max3A = arith.constant 1.000000e-16 : f32
    %max3A_2 = vector.broadcast %max3A : f32 to vector<1000x1xf32>
    %max3A_3 = arith.maximumf %get3A_1, %max3A_2 : vector<1000x1xf32>
    %get3A_4 = arith.constant 0 : index
    %get3A_5 = arith.constant 0 : index
    %get3A_6 = vector.load %arg5[%get3A_4, %get3A_5] : memref<1000x1xf32, #tpu.memory_space<vmem>>, vector<1000x1xf32>
    %get3A_7 = arith.constant 0 : index
    %get3A_8 = arith.constant 0 : index
    %get3A_9 = vector.load %arg2[%get3A_7, %get3A_8] : memref<1000x128xf32, #tpu.memory_space<vmem>>, vector<1000x128xf32>
    %div3A = vector.broadcast %max3A_3 : vector<1000x1xf32> to vector<1000x128xf32>
    %div3A_10 = arith.divf %get3A_9, %div3A : vector<1000x128xf32>
    %gt3A = arith.constant 0.000000e+00 : f32
    %gt3A_11 = vector.broadcast %gt3A : f32 to vector<1000x1xf32>
    %gt3A_12 = arith.cmpf ogt, %get3A_6, %gt3A_11 : vector<1000x1xf32>
    %get3A_13 = arith.constant 0 : index
    %get3A_14 = arith.constant 0 : index
    %get3A_15 = vector.load %arg3[%get3A_13, %get3A_14] : memref<1000x128xf32, #tpu.memory_space<vmem>>, vector<1000x128xf32>
    %jit3A = arith.constant 0.000000e+00 : f32
    %broadcast_in_dim3A = vector.shape_cast %gt3A_12 : vector<1000x1xi1> to vector<1000x1xi1>
    %broadcast_in_dim3A_16 = vector.broadcast %broadcast_in_dim3A : vector<1000x1xi1> to vector<1000x128xi1>
    %broadcast_in_dim3A_17 = vector.broadcast %jit3A : f32 to vector<1000x128xf32>
    %select_n3A = arith.select %broadcast_in_dim3A_16, %get3A_15, %broadcast_in_dim3A_17 : vector<1000x128xi1>, vector<1000x128xf32>
    %get3A_18 = arith.constant 0 : index
    %get3A_19 = arith.constant 0 : index
    %get3A_20 = vector.load %arg8[%get3A_18, %get3A_19] : memref<1x128xf32, #tpu.memory_space<vmem>>, vector<1x128xf32>
    %mul3A = vector.broadcast %get3A_20 : vector<1x128xf32> to vector<1000x128xf32>
    %mul3A_21 = arith.mulf %select_n3A, %mul3A : vector<1000x128xf32>
    %reduce_sum3A = arith.constant dense<0.000000e+00> : vector<1000xf32>
    %reduce_sum3A_22 = vector.multi_reduction <add>, %mul3A_21, %reduce_sum3A [1] : vector<1000x128xf32> to vector<1000xf32>
    %broadcast_in_dim3A_23 = vector.shape_cast %reduce_sum3A_22 : vector<1000xf32> to vector<1000x1xf32>
    %get3A_24 = arith.constant 0 : index
    %get3A_25 = arith.constant 0 : index
    %get3A_26 = vector.load %arg6[%get3A_24, %get3A_25] : memref<1000x1xf32, #tpu.memory_space<vmem>>, vector<1000x1xf32>
    %max3A_27 = arith.constant 1.000000e+00 : f32
    %max3A_28 = vector.broadcast %max3A_27 : f32 to vector<1000x1xf32>
    %max3A_29 = arith.maximumf %get3A_6, %max3A_28 : vector<1000x1xf32>
    %div3A_30 = arith.divf %get3A_26, %max3A_29 : vector<1000x1xf32>
    %get3A_31 = arith.constant 0 : index
    %get3A_32 = arith.constant 0 : index
    %get3A_33 = vector.load %arg7[%get3A_31, %get3A_32] : memref<1000x1xf32, #tpu.memory_space<vmem>>, vector<1000x1xf32>
    %add3A = arith.addf %get3A_33, %broadcast_in_dim3A_23 : vector<1000x1xf32>
    %add3A_34 = arith.addf %add3A, %div3A_30 : vector<1000x1xf32>
    %get3A_35 = arith.constant 0 : index
    %get3A_36 = arith.constant 0 : index
    %get3A_37 = vector.load %arg1[%get3A_35, %get3A_36] : memref<1000x128xf32, #tpu.memory_space<vmem>>, vector<1000x128xf32>
    %logistic3A = arith.negf %add3A_34 : vector<1000x1xf32>
    %logistic3A_38 = math.exp %logistic3A : vector<1000x1xf32>
    %logistic3A_39 = arith.constant 1.000000e+00 : f32
    %logistic3A_40 = vector.broadcast %logistic3A_39 : f32 to vector<1000x1xf32>
    %logistic3A_41 = arith.addf %logistic3A_40, %logistic3A_38 : vector<1000x1xf32>
    %logistic3A_42 = arith.divf %logistic3A_40, %logistic3A_41 : vector<1000x1xf32>
    %mul3A_43 = vector.broadcast %logistic3A_42 : vector<1000x1xf32> to vector<1000x128xf32>
    %mul3A_44 = arith.mulf %mul3A_43, %div3A_10 : vector<1000x128xf32>
    %add3A_45 = arith.addf %get3A_37, %mul3A_44 : vector<1000x128xf32>
    %swap3A = arith.constant 0 : index
    %swap3A_46 = arith.constant 0 : index
    %swap3A_47 = vector.load %arg9[%swap3A, %swap3A_46] : memref<1000x128xf32, #tpu.memory_space<vmem>>, vector<1000x128xf32>
    tpu.vector_store %arg9[%swap3A, %swap3A_46], %add3A_45 {strides = array<i32>} : memref<1000x128xf32, #tpu.memory_space<vmem>>, vector<1000x128xf32>,
    return
  }
  func.func @transform_0(%arg0: i32) -> (i32, i32) {
    %c0_i32 = arith.constant 0 : i32
    %c0_i32_0 = arith.constant 0 : i32
    return %arg0, %c0_i32 : i32, i32
  }
  func.func @transform_1(%arg0: i32) -> (i32, i32) {
    %c0_i32 = arith.constant 0 : i32
    %c0_i32_0 = arith.constant 0 : i32
    return %arg0, %c0_i32 : i32, i32
  }
  func.func @transform_2(%arg0: i32) -> (i32, i32) {
    %c0_i32 = arith.constant 0 : i32
    %c0_i32_0 = arith.constant 0 : i32
    return %arg0, %c0_i32 : i32, i32
  }
  func.func @transform_3(%arg0: i32) -> (i32, i32) {
    %c0_i32 = arith.constant 0 : i32
    %c0_i32_0 = arith.constant 0 : i32
    return %arg0, %c0_i32 : i32, i32
  }
  func.func @transform_4(%arg0: i32) -> (i32, i32) {
    %c0_i32 = arith.constant 0 : i32
    %c0_i32_0 = arith.constant 0 : i32
    return %arg0, %c0_i32 : i32, i32
  }
  func.func @transform_5(%arg0: i32) -> (i32, i32) {
    %c0_i32 = arith.constant 0 : i32
    %c0_i32_0 = arith.constant 0 : i32
    return %arg0, %c0_i32 : i32, i32
  }
  func.func @transform_6(%arg0: i32) -> (i32, i32) {
    %c0_i32 = arith.constant 0 : i32
    %c0_i32_0 = arith.constant 0 : i32
    return %arg0, %c0_i32 : i32, i32
  }
  func.func @transform_7(%arg0: i32) -> (i32, i32) {
    %c0_i32 = arith.constant 0 : i32
    %c0_i32_0 = arith.constant 0 : i32
    %c0_i32_1 = arith.constant 0 : i32
    return %c0_i32, %c0_i32_0 : i32, i32
  }
  func.func @transform_8(%arg0: i32) -> (i32, i32) {
    %c0_i32 = arith.constant 0 : i32
    %c0_i32_0 = arith.constant 0 : i32
    return %arg0, %c0_i32 : i32, i32
  }
}

</mosaic_0001>

<sc_bundles>
// kernel: kernel.5.cloned.1.call-start
scs
__scs_entry_jumppad:
0x0: {  	(pc) =	sbr.rel $0x88, $3  }
0x1: {  	(tag) =	ssettag $0x0;
	lr =	simm.s32 $0x1  }
0x2: {  	[smem:$0x3F97] =	sst lr;
	_ =	strace $0xD0000000  }
0x3: {  	_ = 	snop  }
0x4: {  	_ = 	snop  }
0x5: {  	_ = 	snop  }
0x6: {  	_ = 	snop  }
0x7: {  	_ = 	snop  }
__scs_overlays_trampoline_lowered:
0x8: {  	[smem:$0x3FA6] =	sst s0  }
0x9: {  	[smem:$0x3FA7] =	sst s1  }
0xa: {  	[smem:$0x3FA8] =	sst s2  }
0xb: {  	[smem:$0x3FA9] =	sst s3  }
0xc: {  	[smem:$0x3FAA] =	sst s4  }
0xd: {  	[smem:$0x3FAB] =	sst s5  }
0xe: {  	[smem:$0x3FAC] =	sst s6  }
0xf: {  	[smem:$0x3FAD] =	sst s7  }
0x10: {  	[smem:$0x3FAE] =	sst s8  }
0x11: {  	[smem:$0x3FAF] =	sst s9;
	s0 =	simm.s32 @!p0 $0x0  }
0x12: {  	s1 =	sld [smem:$0x3F95];
	s0 =	simm.s32 @p0 $0x1  }
0x13: {  	[smem:$0x3FB0] =	sst s0;
	s0 =	simm.s32 @!p1 $0x0  }
0x14: {  	s2 =	sld [smem:$0x3F94];
	s0 =	simm.s32 @p1 $0x1  }
0x15: {  	[smem:$0x3FB1] =	sst s0;
	s0 =	simm.s32 @!p2 $0x0  }
0x16: {  	s3 =	sld [smem:$0x3FDB];
	s0 =	simm.s32 @p2 $0x1  }
0x17: {  	s4 =	simm.s32 $0x1BF5;
	[smem:$0x3FB3] =	sst s0  }
0x18: {  	s0 =	sld [smem:$0x3F96];
	_ =	swait.ge [sflag:s4], $0x0  }
0x19: {  	s7 =	sld [smem:$0x3F97]  }
0x1a: {  	s8 =	sadd.s32 $0xFFFFE003, lr  }
0x1b: {  	s9 =	sadd.s32 $0xFFFFFEF7, lr;
	s5 =	simm.s32 $0xFFFFFFFF;
	p2 =	slt.u32 s8, $0xFFFFF086  }
0x1c: {  	p1 =	slt.u32 s9, $0xF7A;
	s5 =	simm.s32 @!p2 $0x0  }
0x1d: {  	s5 =	simm.s32 @p1 $0x1;
	p0 =	seq.s32 s7, s2  }
0x1e: {  	s7 =	smul.u32 @!p0 $0xF7A, s2;
	p2 =	seq.s32 @!p0 s5, $0x0  }
0x1f: {  	s9 =	smul.u32 $0xF7A, s1;
	s8 =	simm.s32 @!p0 $0x1BF5;
	p2 =	por !p2, p0  }
0x20: {  	[sflag:s8] =	ssyncset.s32 @!p0 $0xFFFFF086;
	s6 =	sadd.s32 @!p0 s3, s7;
	s7 =	simm.s32 @!p0 $0x108  }
0x21: {  	s3 =	sadd.s32 s3, s9;
	s6 =	sadd.s32 @!p0 $0x88, s6;
	s7 =	simm.s32 @p2 $0x1082  }
0x22: {  	[simem:s7], [sflag:s8] =	dma.local @!p0 [hbm:s6], $0xF7A  }
0x23: {  	s9 =	sor.u32 $0xD0000000, s2;
	s6 =	simm.s32 $0x108;
	_ =	swait.ge @!p0 [sflag:s8], $0x0  }
0x24: {  	s3 =	sadd.s32 $0x88, s3;
	s6 =	simm.s32 @!p1 $0x1082;
	[sflag:s4] =	ssyncset.s32 $0xFFFFF086  }
0x25: {  	[simem:s6], [sflag:s4] =	dma.local [hbm:s3], $0xF7A  }
0x26: {  	[smem:$0x3F97] =	sst s1;
	(tag) =	ssettag s2;
	_ =	strace s9  }
0x27: {  	s1 =	sld [smem:$0x3FA7]  }
0x28: {  	s2 =	sld [smem:$0x3FA8]  }
0x29: {  	s4 =	sld [smem:$0x3FAA]  }
0x2a: {  	p0 =	seq.s32 s5, $0x0;
	s5 =	sld [smem:$0x3FAB]  }
0x2b: {  	s6 =	sld [smem:$0x3FAC]  }
0x2c: {  	s7 =	sld [smem:$0x3FAD]  }
0x2d: {  	s3 =	simm.s32 $0x108;
	s8 =	sld [smem:$0x3FAE]  }
0x2e: {  	s3 =	simm.s32 @!p0 $0x1082;
	s9 =	sld [smem:$0x3FAF]  }
0x2f: {  	lr =	sadd.s32 s0, s3;
	s0 =	sld [smem:$0x3FA6]  }
0x30: {  	s3 =	sld [smem:$0x3FA9]  }
0x31: {  	[smem:$0x3FB2] =	sst s10  }
0x32: {  	s10 =	sld [smem:$0x3FB0];
	_ =	sdelay $0x3  }
0x33: {  	p0 =	seq.s32 s10, $0x1;
	s10 =	sld [smem:$0x3FB2];
	_ =	sdelay $0x3  }
0x34: {  	[smem:$0x3FB2] =	sst s10  }
0x35: {  	s10 =	sld [smem:$0x3FB1];
	_ =	sdelay $0x3  }
0x36: {  	p1 =	seq.s32 s10, $0x1;
	s10 =	sld [smem:$0x3FB2];
	_ =	sdelay $0x3  }
0x37: {  	[smem:$0x3FB2] =	sst s10  }
0x38: {  	s10 =	sld [smem:$0x3FB3]  }
0x39: {  	_ = 	snop;
	(pc) =	sbr.ind lr, $3  }
0x3a: {  	_ = 	snop  }
0x3b: {  	_ = 	snop  }
0x3c: {  	p2 =	seq.s32 s10, $0x1;
	s10 =	sld [smem:$0x3FB2]  }
0x3d: {  	_ =	shalt  }
0x3e: {  	_ =	shalt  }
0x3f: {  	_ =	shalt  }
0x40: {  	_ =	shalt  }
0x41: {  	_ =	shalt  }
0x42: {  	_ =	shalt  }
0x43: {  	_ =	shalt  }
0x44: {  	_ =	shalt  }
0x45: {  	_ =	shalt  }
0x46: {  	_ =	shalt  }
0x47: {  	_ =	shalt  }
0x48: {  	_ =	shalt  }
0x49: {  	_ =	shalt  }
0x4a: {  	_ =	shalt  }
0x4b: {  	_ =	shalt  }
0x4c: {  	_ =	shalt  }
0x4d: {  	_ =	shalt  }
0x4e: {  	_ =	shalt  }
0x4f: {  	_ =	shalt  }
0x50: {  	_ =	shalt  }
0x51: {  	_ =	shalt  }
0x52: {  	_ =	shalt  }
0x53: {  	_ =	shalt  }
0x54: {  	_ =	shalt  }
0x55: {  	_ =	shalt  }
0x56: {  	_ =	shalt  }
0x57: {  	_ =	shalt  }
0x58: {  	_ =	shalt  }
0x59: {  	_ =	shalt  }
0x5a: {  	_ =	shalt  }
0x5b: {  	_ =	shalt  }
0x5c: {  	_ =	shalt  }
0x5d: {  	_ =	shalt  }
0x5e: {  	_ =	shalt  }
0x5f: {  	_ =	shalt  }
0x60: {  	_ =	shalt  }
0x61: {  	_ =	shalt  }
0x62: {  	_ =	shalt  }
0x63: {  	_ =	shalt  }
0x64: {  	_ =	shalt  }
0x65: {  	_ =	shalt  }
0x66: {  	_ =	shalt  }
0x67: {  	_ =	shalt  }
0x68: {  	_ =	shalt  }
0x69: {  	_ =	shalt  }
0x6a: {  	_ =	shalt  }
0x6b: {  	_ =	shalt  }
0x6c: {  	_ =	shalt  }
0x6d: {  	_ =	shalt  }
0x6e: {  	_ =	shalt  }
0x6f: {  	_ =	shalt  }
0x70: {  	_ =	shalt  }
0x71: {  	_ =	shalt  }
0x72: {  	_ =	shalt  }
0x73: {  	_ =	shalt  }
0x74: {  	_ =	shalt  }
0x75: {  	_ =	shalt  }
0x76: {  	_ =	shalt  }
0x77: {  	_ =	shalt  }
0x78: {  	_ =	shalt  }
0x79: {  	_ =	shalt  }
0x7a: {  	_ =	shalt  }
0x7b: {  	_ =	shalt  }
0x7c: {  	_ =	shalt  }
0x7d: {  	_ =	shalt  }
0x7e: {  	_ =	shalt  }
0x7f: {  	_ =	shalt  }
0x80: {  	_ =	shalt  }
0x81: {  	_ =	shalt  }
0x82: {  	_ =	shalt  }
0x83: {  	_ =	shalt  }
0x84: {  	_ =	shalt  }
0x85: {  	_ =	shalt  }
0x86: {  	_ =	shalt  }
0x87: {  	_ =	shalt  }
.Lfunc_end0:
.L_simem_size_0:
called_computation_lowered:
.L_overlay_start_0:
0x88: {  	s2 =	sld [smem:$0x3FD9]  }
0x89: {  	s3 =	sld [smem:$0x3FFE];
	_ =	sdelay $0x1  }
0x8a: {  	s1 =	srdreg.scid  }
0x8b: {  	s0 =	sand.u32 $0x1, s1  }
0x8c: {  	s17 =	sshll.u32 s0, $0xA;
	s2 =	sadd.s32 s3, s2  }
0x8d: {  	s2 =	sadd.s32 s2, s17  }
0x8e: {  	[smem:$0x3FBE] =	sst s2  }
0x8f: {  	_ = 	snop  }
0x90: {  	s2 =	sld [smem:$0x3FD0];
	(tm) =	ssettm $0x1  }
0x91: {  	s18 =	sld [smem:$0x3FFB];
	_ =	sdelay $0x3  }
0x92: {  	_ =	strace s18  }
0x93: {  	s3 =	sld [smem:$0x3FFC];
	_ =	sdelay $0x3  }
0x94: {  	_ =	strace s3  }
0x95: {  	s3 =	sld [smem:$0x3FFD];
	_ =	sdelay $0x3  }
0x96: {  	_ =	strace s3  }
0x97: {  	_ =	strace $0x8FFFFFFF  }
0x98: {  	s19 =	sld [smem:$0x3FDB];
	_ =	sdelay $0x1  }
0x99: {  	s4 =	simm.s32 $_scs_section_size  }
0x9a: {  	s5 =	simm.s32 $_size__tile_overlayer_lowered;
	s6 =	simm.s32 $_tile_overlayer_lowered  }
0x9b: {  	s22 =	simm.s32 $0x1BFF;
	s21 =	sshll.u32 s6, $0x1;
	s3 =	sadd.s32 s4, s19  }
0x9c: {  	s7 =	simm.s32 $0x0;
	s20 =	sshll.u32 s5, $0x1;
	s5 =	sadd.s32 s21, s3  }
0x9d: {  	[timem:s7], [sflag:s22] =	dma.local [hbm:s5], s20  }
0x9e: {  	_ =	swait.ge [sflag:s22], s20  }
0x9f: {  	s4 =	ssub.s32 $0x0, s20;
	[sflag:s22] =	ssyncset.done $0x0  }
0xa0: {  	[sflag:s22] =	ssyncadd.s32 s4;
	_ =	sdelay $0x1  }
0xa1: {  	s23 =	simm.s32 $0x1B8B  }
0xa2: {  	_ =	swait.ge [sflag:s23], $0x1  }
0xa3: {  	[sflag:s23] =	ssyncset.done $0x0  }
0xa4: {  	s25 =	simm.s32 $0x1B8E;
	s24 =	sld [smem:$0x3FFE];
	[sflag:s23] =	ssyncadd.s32 $0xFFFFFFFF  }
0xa5: {  	s26 =	simm.s32 $execute0_lowered;
	[smem:$0x3FD2] =	sst s25  }
0xa6: {  	s5 =	sshll.u32 s26, $0x1;
	_ =	strace $0x80000046;
	[dreg:$0x1] =	wrdreg $0xFFFFFFFF  }
0xa7: {  	s28 =	simm.s32 $_size_execute0_lowered;
	s3 =	sadd.s32 s3, s5;
	[dreg:$0x0] =	wrdreg $0x0  }
0xa8: {  	s5 =	sshll.u32 s28, $0x1;
	[dreg:$0x2] =	wrdreg s3  }
0xa9: {  	[dreg:$0x3] =	wrdreg s5  }
0xaa: {  	[dreg:$0x4] =	wrdreg $0xC0  }
0xab: {  	_ =	task [dreg:s7], $0x5FFFF  }
0xac: {  	[dreg:$0x1] =	wrdreg $0xFFFFFFFF  }
0xad: {  	[dreg:$0x0] =	wrdreg $0x60  }
0xae: {  	[dreg:$0x2] =	wrdreg s24  }
0xaf: {  	[dreg:$0x3] =	wrdreg s2  }
0xb0: {  	[dreg:$0x4] =	wrdreg $0x9  }
0xb1: {  	_ =	task.clear_ibuf [dreg:s7], $0x5FFFF;
	_ =	strace $0x90000046  }
0xb2: {  	s29 =	simm.s32 $0x9;
	_ =	strace $0x80000048  }
0xb3: {  	_ =	swait.ge [sflag:s29], $0x1  }
0xb4: {  	[sflag:s29] =	ssyncadd.s32 $0xFFFFFFFF  }
0xb5: {  	_ =	strace $0x90000048  }
0xb6: {  	_ =	sfence  }
0xb7: {  	s30 =	sld [smem:$0x0];
	_ =	sdelay $0x2  }
0xb8: {  	s31 =	sshll.u32 s1, $0xD;
	s1 =	sshrl.u32 s1, $0x2  }
0xb9: {  	s3 =	sand.u32 $0x4000, s31;
	s1 =	sadd.s32 s1, s30  }
0xba: {  	s0 =	sor.u32 s3, s0;
	s1 =	sshll.u32 s1, $0x11  }
0xbb: {  	s0 =	sor.u32 s1, s0  }
0xbc: {  	s0 =	sadd.s32 $0x8F2B, s0  }
0xbd: {  	[sflag:s0] =	ssyncadd.remote.s32 $0x1  }
0xbe: {  	_ =	sfence.sel $0xFFFF  }
0xbf: {  	[dreg:$0x0] =	wrdreg $0xFFFFFFFF;
	(pc) =	sbr.abs _section_cstart, $3  }
0xc0: {  	[dreg:$0x1] =	wrdreg $0xFFFFFFFF  }
0xc1: {  	_ =	task.clear_ibuf [dreg:s7], $0x2FFFF;
	_ =	strace $0x9FFFFFFF  }
0xc2: {  	(tm) =	ssettm $0x7FFFFFFF  }
0xc3: {  	_ =	shalt  }
tec
execute0_lowered:
.L_overlay_start_1:
0x0: {  	(tag) =	ssettag $0x1  }
0x1: {  	s0 =	rddreg [dreg:$0x0];
	s1 =	srdreg.scid  }
0x2: {  	s3 =	stileid.u32;
	s6 =	simm.s32 $0x0;
	s15 =	simm.s32 $0x14480  }
0x3: {  	s16 =	simm.s32 $0x1;
	s28 =	simm.s32 $0x1D680;
	s29 =	simm.s32 $0x1DE80  }
0x4: {  	s30 =	simm.s32 $0x1E680;
	s31 =	simm.s32 $0x1EE80;
	s8 =	simm.s32 $0x0  }
0x5: {  	s12 =	simm.s32 $0x0;
	s1 =	sand.u32 $0x1, s1;
	s2 =	sshll.u32 s3, $0x1  }
0x6: {  	s3 =	sshrl.u32 s3, $0x2;
	[smem:$0x7FF] =	sst s6;
	s5 =	sadd.s32 $0xC00, s0  }
0x7: {  	s17 =	sadd.s32 $0x59200, s0;
	s18 =	sadd.s32 $0x58C00, s0;
	s7 =	sadd.s32 $0xAA00, s0  }
0x8: {  	s2 =	sor.u32 s1, s2;
	_ =	strace $0x80000047;
	[dreg:$0x3] =	wrdreg s5  }
0x9: {  	s3 =	smul.u32 $0xC00, s3;
	[dreg:$0x4] =	wrdreg s17;
	s4 =	sshll.u32 s2, $0x7  }
0xa: {  	[dreg:$0x5] =	wrdreg s18;
	s1 =	ssub.s32 $0x2, s1;
	s4 =	sand.u32 $0x380, s4  }
0xb: {  	s17 =	simm.s32 $0x16C00;
	s20 =	sshrl.u32 s1, $0x1;
	s3 =	sor.u32 s3, s4  }
0xc: {  	s19 =	smul.u32 $0x1400, s2;
	s1 =	ssub.s32 s1, s20;
	s3 =	sshrl.u32 s3, $0x3  }
0xd: {  	s5 =	simm.s32 $0x14300;
	s26 =	smax.u32 s1, $0x1;
	s3 =	sadd.s32 s3, s0  }
0xe: {  	[dreg:$0xc] =	wrdreg s26;
	s0 =	sadd.s32 s19, s0;
	s21 =	sadd.s32 $0x80A00, s3  }
0xf: {  	s20 =	simm.s32 $0x19380;
	s22 =	sadd.s32 $0x81000, s0;
	[dreg:$0x6] =	wrdreg s21  }
0x10: {  	s4 =	simm.s32 $0x400;
	s0 =	sadd.s32 $0xA9000, s0;
	[dreg:$0x7] =	wrdreg s22  }
.Ltmp0:
0x11: {  	s23 =	sadd.s32 $0xD1000, s3;
	[dreg:$0x8] =	wrdreg s0;
	(pc) =	sbr.rel .LBB2_1-.Ltmp0, $4  }
0x12: {  	v1 =	vlaneseq.u32;
	v2 =	vimm.f32 $0.0e+00;
	s1 =	simm.s32 $0x14180;
	s24 =	sadd.s32 $0xD1600, s3;
	[dreg:$0x9] =	wrdreg s23  }
0x13: {  	v3 =	vimm.f32 $-3.399999950e+38;
	v4 =	vimm.s32 $0x0;
	vm0 =	vmmov $0xffff;
	s26 =	simm.s32 $0x1CE80;
	s25 =	sadd.s32 $0xD1C00, s3;
	[dreg:$0xa] =	wrdreg s24  }
0x14: {  	v8 =	vimm.f32 $1.000000000e+00;
	v6 =	vshrl.u32 v1, $0x3;
	v5 =	vand.u32 $0x7, v1;
	s3 =	simm.s32 $0x80;
	[dreg:$0xb] =	wrdreg s25;
	s23 =	simm.s32 $0x1B680  }
0x15: {  	v7 =	vor.u32 $0x8, v1;
	v6 =	vmul.u32 $0x8, v6;
	v0 =	vmov s2;
	s24 =	simm.s32 $0x1BE80;
	s25 =	simm.s32 $0x1C680;
	s0 =	simm.s32 $0x14000  }
.LBB2_18:
0x16: {  	s6 =	simm.s32 $0x0;
	s2 =	rddreg [dreg:$0x7]  }
0x17: {  	[hbm4b:s2+s6] =	stream.linear.scatter [tilespmem:s6], [sflag:$0x1], $0x9C80, $0x38;
	[tilespmem:$0x1F680] =	vst v63  }
0x18: {  	_ =	swait.ge [sflag:s16], $0x9C80  }
0x19: {  	[sflag:s16] =	ssyncset.done $0x0  }
0x1a: {  	s3 =	simm.s32 $0xA000;
	s14 =	rddreg [dreg:$0x8];
	[sflag:s16] =	ssyncadd.s32 $0xFFFF6380  }
0x1b: {  	[hbm4b:s14+s6] =	stream.linear.scatter [tilespmem:s3], [sflag:$0x1], $0x9C80, $0x38;
	[tilespmem:$0x1F680] =	vst v63  }
0x1c: {  	_ =	swait.ge [sflag:s16], $0x9C80  }
0x1d: {  	s4 =	simm.s32 $0x400;
	[sflag:s16] =	ssyncset.done $0x0  }
0x1e: {  	s3 =	simm.s32 $0x80;
	s18 =	rddreg [dreg:$0x9];
	[sflag:s16] =	ssyncadd.s32 $0xFFFF6380  }
0x1f: {  	[hbm4b:s18+s3] =	stream.strided.scatter [tilespmem:s0], [sflag:$0x1], $0x180, s4, s3, $0x38;
	[tilespmem:$0x1F680] =	vst v63  }
0x20: {  	_ =	swait.ge [sflag:s16], $0x180  }
0x21: {  	[sflag:s16] =	ssyncset.done $0x0  }
0x22: {  	s19 =	rddreg [dreg:$0xa];
	[sflag:s16] =	ssyncadd.s32 $0xFFFFFE80  }
0x23: {  	[hbm4b:s19+s3] =	stream.strided.scatter [tilespmem:s1], [sflag:$0x1], $0x180, s4, s3, $0x38;
	[tilespmem:$0x1F680] =	vst v63  }
0x24: {  	_ =	swait.ge [sflag:s16], $0x180  }
0x25: {  	[sflag:s16] =	ssyncset.done $0x0  }
0x26: {  	s21 =	rddreg [dreg:$0xb];
	[sflag:s16] =	ssyncadd.s32 $0xFFFFFE80  }
0x27: {  	[hbm4b:s21+s3] =	stream.strided.scatter [tilespmem:s5], [sflag:$0x1], $0x180, s4, s3, $0x38;
	[tilespmem:$0x1F680] =	vst v63  }
0x28: {  	_ =	swait.ge [sflag:s16], $0x180  }
0x29: {  	s8 =	rddreg [dreg:$0xd]  }
0x2a: {  	s22 =	rddreg [dreg:$0xc];
	s8 =	sadd.s32 $0x1, s8  }
0x2b: {  	p0 =	sne.s32 s8, s22  }
.Ltmp1:
0x2c: {  	_ = 	snop;
	(pc) =	sbr.rel @!p0 .LBB2_19-.Ltmp1, $3  }
0x2d: {  	_ =	sdelay $0x1  }
0x2e: {  	[sflag:s16] =	ssyncset.done $0x0  }
0x2f: {  	[sflag:s16] =	ssyncadd.s32 $0xFFFFFE80  }
.LBB2_1:
0x30: {  	s2 =	rddreg [dreg:$0x4]  }
0x31: {  	[tilespmem:s15], [sflag:$0x1] =	stream.linear.gather [hbm4b:s2+s6], $0x2780, $0x38;
	[tilespmem:$0x1F680] =	vst v63  }
0x32: {  	_ =	swait.ge [sflag:s16], $0x2780  }
0x33: {  	[sflag:s16] =	ssyncset.done $0x0  }
0x34: {  	s21 =	rddreg [dreg:$0x5];
	[sflag:s16] =	ssyncadd.s32 $0xFFFFD880  }
0x35: {  	[tilespmem:s17], [sflag:$0x1] =	stream.linear.gather [hbm4b:s21+s6], $0x2780, $0x38;
	[tilespmem:$0x1F680] =	vst v63  }
0x36: {  	_ =	swait.ge [sflag:s16], $0x2780  }
0x37: {  	[sflag:s16] =	ssyncset.done $0x0  }
0x38: {  	s22 =	rddreg [dreg:$0x6];
	[sflag:s16] =	ssyncadd.s32 $0xFFFFD880  }
0x39: {  	[tilespmem:s20], [sflag:$0x1] =	stream.strided.gather [hbm4b:s22+s3], $0x180, s4, s3, $0x38;
	[tilespmem:$0x1F680] =	vst v63  }
0x3a: {  	_ =	swait.ge [sflag:s16], $0x180  }
0x3b: {  	[sflag:s16] =	ssyncset.done $0x0  }
0x3c: {  	s2 =	simm.s32 $0x0;
	s3 =	simm.s32 $0x200;
	[sflag:s16] =	ssyncadd.s32 $0xFFFFFE80  }
.LBB2_2:
0x3d: {  	p0 =	sne.s32 s3, $0x27000;
	[tilespmem:s2+$0xA070] =	vst v3  }
0x3e: {  	[tilespmem:s2+$0x0] =	vst v2  }
0x3f: {  	[tilespmem:s2+$0xA000] =	vst v3  }
0x40: {  	[tilespmem:s2+$0x10] =	vst v2  }
0x41: {  	[tilespmem:s2+$0xA010] =	vst v3  }
0x42: {  	[tilespmem:s2+$0x20] =	vst v2  }
0x43: {  	[tilespmem:s2+$0xA020] =	vst v3  }
0x44: {  	[tilespmem:s2+$0x30] =	vst v2  }
0x45: {  	[tilespmem:s2+$0xA030] =	vst v3  }
0x46: {  	[tilespmem:s2+$0x40] =	vst v2  }
0x47: {  	[tilespmem:s2+$0xA040] =	vst v3  }
.Ltmp2:
0x48: {  	[tilespmem:s2+$0x50] =	vst v2;
	(pc) =	sbr.rel @p0 .LBB2_2-.Ltmp2, $4  }
0x49: {  	[tilespmem:s2+$0xA050] =	vst v3  }
0x4a: {  	[tilespmem:s2+$0x60] =	vst v2  }
0x4b: {  	[tilespmem:s2+$0xA060] =	vst v3  }
0x4c: {  	[tilespmem:s2+$0x70] =	vst v2;
	s2 =	sshra.s32 s3, $0x2;
	s3 =	sadd.s32 $0x200, s3  }
0x4d: {  	[tilespmem:s2+$0xA070] =	vst v3  }
0x4e: {  	[tilespmem:s2+$0x0] =	vst v2  }
0x4f: {  	[tilespmem:s2+$0xA000] =	vst v3  }
0x50: {  	[tilespmem:s2+$0x10] =	vst v2  }
0x51: {  	[tilespmem:s2+$0xA010] =	vst v3  }
0x52: {  	[tilespmem:s2+$0x20] =	vst v2  }
0x53: {  	[tilespmem:s2+$0xA020] =	vst v3  }
0x54: {  	[tilespmem:s2+$0x30] =	vst v2  }
0x55: {  	[tilespmem:s2+$0xA030] =	vst v3  }
0x56: {  	[tilespmem:s2+$0x40] =	vst v2  }
0x57: {  	[tilespmem:s2+$0xA040] =	vst v3  }
0x58: {  	[tilespmem:s2+$0x50] =	vst v2  }
0x59: {  	[tilespmem:s2+$0xA050] =	vst v3  }
0x5a: {  	[tilespmem:s2+$0x60] =	vst v2  }
0x5b: {  	[tilespmem:s2+$0xA060] =	vst v3  }
0x5c: {  	[tilespmem:s2+$0x70] =	vst v2;
	s2 =	simm.s32 $0x40;
	s3 =	simm.s32 $0x0  }
.LBB2_4:
0x5d: {  	p0 =	sne.s32 s2, $0x4C0;
	[tilespmem:s3+$0x14300] =	vst v2;
	s4 =	smov.u32 s2;
	s2 =	sadd.s32 $0x40, s2  }
.Ltmp3:
0x5e: {  	[tilespmem:s3+$0x14000] =	vst v2;
	(pc) =	sbr.rel @p0 .LBB2_4-.Ltmp3, $2  }
0x5f: {  	[tilespmem:s3+$0x14180] =	vst v2;
	_ =	sdelay $0x2  }
0x60: {  	s3 =	sshra.s32 s4, $0x2  }
0x61: {  	[tilespmem:s3+$0x14300] =	vst v2  }
0x62: {  	[tilespmem:s3+$0x14000] =	vst v2  }
0x63: {  	[dreg:$0xd] =	wrdreg s8;
	[tilespmem:s3+$0x14180] =	vst v2;
	s2 =	simm.s32 $0x40;
	s3 =	simm.s32 $0x0  }
.LBB2_6:
0x64: {  	p0 =	sne.s32 s2, $0x2000;
	[tilespmem:s3+$0x1A500] =	vst v4;
	s4 =	smov.u32 s2;
	s2 =	sadd.s32 $0x40, s2  }
.Ltmp4:
0x65: {  	[tilespmem:s3+$0x1AD80] =	vst v4;
	(pc) =	sbr.rel @p0 .LBB2_6-.Ltmp4, $2  }
0x66: {  	_ =	sdelay $0x2  }
0x67: {  	s3 =	sshra.s32 s4, $0x2  }
.Ltmp5:
0x68: {  	(pc) =	sbr.rel .LBB2_8-.Ltmp5, $3  }
0x69: {  	_ =	sdelay $0x1  }
0x6a: {  	[tilespmem:s3+$0x1A500] =	vst v4  }
0x6b: {  	s8 =	simm.s32 $0x0;
	[tilespmem:s3+$0x1AD80] =	vst v4;
	s9 =	simm.s32 $0x0  }
.LBB2_17:
0x6c: {  	s9 =	sadd.s32 $0x1, s9  }
0x6d: {  	p0 =	sne.s32 s9, $0xA0  }
.Ltmp6:
0x6e: {  	_ = 	snop;
	(pc) =	sbr.rel @!p0 .LBB2_18-.Ltmp6, $1  }
0x6f: {  	_ =	sdelay $0x3  }
.LBB2_8:
0x70: {  	s2 =	smul.u32 $0xFA, s9  }
0x71: {  	s3 =	rddreg [dreg:$0x3]  }
0x72: {  	s4 =	simm.s32 $0x19500;
	s3 =	sadd.s32 s3, s2  }
0x73: {  	[tilespmem:s4], [sflag:$0x1] =	stream.linear.gather [hbm4b:s3+s8], $0x7D0, $0x38;
	[tilespmem:$0x1F680] =	vst v63  }
0x74: {  	_ =	swait.ge [sflag:s16], $0x7D0  }
0x75: {  	[sflag:s16] =	ssyncset.done $0x0  }
0x76: {  	[sflag:s16] =	ssyncadd.s32 $0xFFFFF830  }
0x77: {  	s19 =	rddreg [dreg:$0x1]  }
0x78: {  	s21 =	simm.s32 $0x19D00;
	s2 =	sadd.s32 s19, s2  }
0x79: {  	[tilespmem:s21], [sflag:$0x1] =	stream.linear.gather [hbm4b:s2+s8], $0x7D0, $0x38;
	[tilespmem:$0x1F680] =	vst v63  }
0x7a: {  	_ =	swait.ge [sflag:s16], $0x7D0  }
0x7b: {  	[sflag:s16] =	ssyncset.done $0x0  }
0x7c: {  	s22 =	simm.s32 $0x0;
	[sflag:s16] =	ssyncadd.s32 $0xFFFFF830  }
0x7d: {  	v9 =	vld [tilespmem:s22+$0x19D00];
	_ =	sdelay $0x4  }
0x7e: {  	v11 =	vand.u32 $0x1F, v9  }
0x7f: {  	vm1 =	veq.s32 v11, v0  }
0x80: {  	v11 =	vmpcnt.ones.xlane vm1;
	_ =	sdelay $0x1  }
0x81: {  	v10 =	vld [tilespmem:s22+$0x19500];
	(v2sf) =	vpush v11, $0x0;
	_ =	sdelay $0x4  }
0x82: {  	v9 =	vshrl.u32 v9, $0x5;
	[tilespmem:s8+$0x1A500] =	vst.msk vm1, v10  }
0x83: {  	s4 =	simm.s32 $0x10;
	s3 =	simm.s32 $0x80;
	s2 =	simm.s32 $0x0;
	[tilespmem:s8+$0x1AD80] =	vst.msk vm1, v9  }
.LBB2_9:
0x84: {  	p0 =	sne.s32 s3, $0x1F00;
	v9 =	vld [tilespmem:s4+$0x19D00];
	_ =	sdelay $0x4  }
0x85: {  	v10 =	vand.u32 $0x1F, v9;
	v11 =	vld [tilespmem:s4+$0x19500];
	v9 =	vshrl.u32 v9, $0x5  }
0x86: {  	vm1 =	veq.s32 v10, v0  }
0x87: {  	v10 =	vmpcnt.ones.xlane vm1  }
0x88: {  	s4 =	spop (v2sf)  }
0x89: {  	(v2sf) =	vpush v10, $0x0;
	s2 =	sadd.s32 s2, s4  }
0x8a: {  	[tilespmem:s2+$0x1A500] =	vst.msk vm1, v11  }
.Ltmp7:
0x8b: {  	[tilespmem:s2+$0x1AD80] =	vst.msk vm1, v9;
	(pc) =	sbr.rel @p0 .LBB2_9-.Ltmp7, $2  }
0x8c: {  	_ =	sdelay $0x2  }
0x8d: {  	s4 =	sshra.s32 s3, $0x2;
	s3 =	sadd.s32 $0x40, s3  }
0x8e: {  	v9 =	vld [tilespmem:s4+$0x19D00];
	_ =	sdelay $0x4  }
0x8f: {  	v10 =	vand.u32 $0x1F, v9  }
0x90: {  	vm1 =	veq.s32 v10, v0  }
0x91: {  	v10 =	vmpcnt.ones.xlane vm1;
	_ =	sdelay $0x1  }
0x92: {  	(v2sf) =	vpush v10, $0x0;
	_ =	sdelay $0xd  }
0x93: {  	s3 =	spop (v2sf)  }
0x94: {  	s2 =	sadd.s32 s2, s3;
	s22 =	spop (v2sf)  }
0x95: {  	s14 =	sadd.s32 s2, s22  }
0x96: {  	s3 =	sadd.s32 $0x3F, s14  }
0x97: {  	v10 =	vld [tilespmem:s4+$0x19500];
	s11 =	sshra.s32 s3, $0x6  }
0x98: {  	p0 =	slt.s32 s11, $0x1  }
.Ltmp8:
0x99: {  	_ = 	snop;
	(pc) =	sbr.rel @p0 .LBB2_17-.Ltmp8, $3  }
0x9a: {  	_ =	sdelay $0x1  }
0x9b: {  	v9 =	vshrl.u32 v9, $0x5;
	[tilespmem:s2+$0x1A500] =	vst.msk vm1, v10  }
0x9c: {  	[tilespmem:s2+$0x1AD80] =	vst.msk vm1, v9  }
.Ltmp9:
0x9d: {  	(pc) =	sbr.rel .LBB2_12-.Ltmp9, $2  }
0x9e: {  	_ =	sdelay $0x2  }
0x9f: {  	v9 =	vmov s14;
	s13 =	simm.s32 $0x1AD80;
	s10 =	smov.u32 s14;
	s3 =	simm.s32 $0x0  }
.LBB2_15:
0xa0: {  	[tilespmem:s19+$0xA070] =	vst v10  }
.LBB2_16:
0xa1: {  	s3 =	sadd.s32 $0x1, s3  }
0xa2: {  	p0 =	sne.s32 s3, s11  }
.Ltmp10:
0xa3: {  	_ = 	snop;
	(pc) =	sbr.rel @!p0 .LBB2_17-.Ltmp10, $2  }
0xa4: {  	_ =	sdelay $0x2  }
0xa5: {  	s10 =	sadd.s32 $0xFFFFFFC0, s10;
	s13 =	sadd.s32 $0x40, s13  }
.LBB2_12:
0xa6: {  	s2 =	sshll.u32 s3, $0x6  }
0xa7: {  	v10 =	vld [tilespmem:s2+$0x1A500];
	_ =	sdelay $0x4  }
0xa8: {  	v11 =	vshll.u32 v10, $0x1  }
0xa9: {  	v10 =	vand.u32 $0x7, v10;
	v11 =	vand.u32 $0xFFFFFFF0, v11  }
0xaa: {  	v10 =	vor.u32 v10, v11  }
0xab: {  	v11 =	vperm.xlane v10, v5;
	_ =	sdelay $0x1  }
0xac: {  	v10 =	vperm.xlane v10, v7;
	v11 =	vadd.s32 v6, v11;
	_ =	sdelay $0x1  }
0xad: {  	v10 =	vadd.s32 v6, v10;
	_ =	sdelay $0x2  }
0xae: {  	[tilespmem:s23], [sflag:$0x1] =	stream.indirect_vreg.gather [hbm4b:s7+s12], $0x80, v11, vm0, $0xb8;
	[tilespmem:$0x1F680] =	vst v63  }
0xaf: {  	_ = 	snop  }
0xb0: {  	[tilespmem:s24], [sflag:$0x1] =	stream.indirect_vreg.gather [hbm4b:s7+s12], $0x80, v10, vm0, $0xb8;
	[tilespmem:$0x1F680] =	vst v63  }
0xb1: {  	v10 =	vld [tilespmem:s2+$0x1A510];
	_ =	sdelay $0x4  }
0xb2: {  	v11 =	vshll.u32 v10, $0x1  }
0xb3: {  	v10 =	vand.u32 $0x7, v10;
	v11 =	vand.u32 $0xFFFFFFF0, v11  }
0xb4: {  	v10 =	vor.u32 v10, v11  }
0xb5: {  	v11 =	vperm.xlane v10, v5;
	_ =	sdelay $0x1  }
0xb6: {  	v10 =	vperm.xlane v10, v7;
	v11 =	vadd.s32 v6, v11;
	_ =	sdelay $0x1  }
0xb7: {  	v10 =	vadd.s32 v6, v10;
	_ =	sdelay $0x2  }
0xb8: {  	[tilespmem:s25], [sflag:$0x1] =	stream.indirect_vreg.gather [hbm4b:s7+s12], $0x80, v11, vm0, $0xb8;
	[tilespmem:$0x1F680] =	vst v63  }
0xb9: {  	_ = 	snop  }
0xba: {  	[tilespmem:s26], [sflag:$0x1] =	stream.indirect_vreg.gather [hbm4b:s7+s12], $0x80, v10, vm0, $0xb8;
	[tilespmem:$0x1F680] =	vst v63  }
0xbb: {  	v10 =	vld [tilespmem:s2+$0x1A520];
	_ =	sdelay $0x4  }
0xbc: {  	v11 =	vshll.u32 v10, $0x1  }
0xbd: {  	v10 =	vand.u32 $0x7, v10;
	v11 =	vand.u32 $0xFFFFFFF0, v11  }
0xbe: {  	v10 =	vor.u32 v10, v11  }
0xbf: {  	v11 =	vperm.xlane v10, v5;
	_ =	sdelay $0x1  }
0xc0: {  	v10 =	vperm.xlane v10, v7;
	v11 =	vadd.s32 v6, v11;
	_ =	sdelay $0x1  }
0xc1: {  	v10 =	vadd.s32 v6, v10;
	_ =	sdelay $0x2  }
0xc2: {  	[tilespmem:s28], [sflag:$0x1] =	stream.indirect_vreg.gather [hbm4b:s7+s12], $0x80, v11, vm0, $0xb8;
	[tilespmem:$0x1F680] =	vst v63  }
0xc3: {  	_ = 	snop  }
0xc4: {  	[tilespmem:s29], [sflag:$0x1] =	stream.indirect_vreg.gather [hbm4b:s7+s12], $0x80, v10, vm0, $0xb8;
	[tilespmem:$0x1F680] =	vst v63  }
0xc5: {  	v10 =	vld [tilespmem:s2+$0x1A530];
	_ =	sdelay $0x4  }
0xc6: {  	v11 =	vshll.u32 v10, $0x1  }
0xc7: {  	v10 =	vand.u32 $0x7, v10;
	v11 =	vand.u32 $0xFFFFFFF0, v11  }
0xc8: {  	v10 =	vor.u32 v10, v11  }
0xc9: {  	v11 =	vperm.xlane v10, v5;
	_ =	sdelay $0x1  }
0xca: {  	v10 =	vperm.xlane v10, v7;
	v11 =	vadd.s32 v6, v11;
	_ =	sdelay $0x1  }
0xcb: {  	v10 =	vadd.s32 v6, v10;
	_ =	sdelay $0x2  }
0xcc: {  	[tilespmem:s30], [sflag:$0x1] =	stream.indirect_vreg.gather [hbm4b:s7+s12], $0x80, v11, vm0, $0xb8;
	[tilespmem:$0x1F680] =	vst v63  }
0xcd: {  	_ = 	snop  }
0xce: {  	[tilespmem:s31], [sflag:$0x1] =	stream.indirect_vreg.gather [hbm4b:s7+s12], $0x80, v10, vm0, $0xb8;
	[tilespmem:$0x1F680] =	vst v63  }
0xcf: {  	_ =	swait.ge [sflag:s16], $0x4000  }
0xd0: {  	[sflag:s16] =	ssyncset.done $0x0  }
0xd1: {  	[sflag:s16] =	ssyncadd.s32 $0xFFFFC000  }
0xd2: {  	v10 =	vld [tilespmem:s2+$0x1A500]  }
0xd3: {  	v11 =	vld [tilespmem:s2+$0x1AD80];
	_ =	sdelay $0x6  }
0xd4: {  	v12 =	vld.idx.msk [tilespmem:v10+s15+$0x0], $0xffff  }
0xd5: {  	v13 =	vld.idx.msk [tilespmem:v11+s20+$0x0], $0xffff;
	_ =	sdelay $0x4  }
0xd6: {  	v12 =	vadd.f32 v13, v12;
	_ =	sdelay $0x1  }
0xd7: {  	v13 =	vmul.f32 $9.999999770e-03, v12;
	_ =	sdelay $0x1  }
0xd8: {  	v12 =	vmax.f32 v12, v13  }
0xd9: {  	v12 =	vmul.f32 $1.442695020e+00, v12;
	_ =	sdelay $0x1  }
0xda: {  	(erf) = vpow2.f32 v12;
	_ =	sdelay $0x2  }
0xdb: {  	v53 =	vor.u32 s2, v1  }
0xdc: {  	vm1 =	vlt.s32 v53, v9;
	_ =	sdelay $0x4  }
0xdd: {  	v54 =	vpop (erf)  }
0xde: {  	[tilespmem:v11+s0+$0x0] =	vst.idx.add.f32.msk vm1, v54  }
0xdf: {  	[tilespmem:v11+s1+$0x0] =	vst.idx.add.f32.msk vm1, v8  }
0xe0: {  	v10 =	vld.idx.msk [tilespmem:v10+s17+$0x0], $0xffff;
	_ =	sdelay $0x4  }
0xe1: {  	[tilespmem:v11+s5+$0x0] =	vst.idx.add.f32.msk vm1, v10  }
0xe2: {  	[tilespmem:$0x1B600] =	vst v54  }
0xe3: {  	v10 =	vld [tilespmem:s2+$0x1A510]  }
0xe4: {  	v11 =	vld [tilespmem:s2+$0x1AD90];
	_ =	sdelay $0x6  }
0xe5: {  	v12 =	vld.idx.msk [tilespmem:v10+s15+$0x0], $0xffff  }
0xe6: {  	v55 =	vld.idx.msk [tilespmem:v11+s20+$0x0], $0xffff;
	_ =	sdelay $0x4  }
0xe7: {  	v12 =	vadd.f32 v55, v12;
	_ =	sdelay $0x1  }
0xe8: {  	v13 =	vmul.f32 $9.999999770e-03, v12;
	_ =	sdelay $0x1  }
0xe9: {  	v12 =	vmax.f32 v12, v13  }
0xea: {  	v12 =	vmul.f32 $1.442695020e+00, v12;
	_ =	sdelay $0x1  }
0xeb: {  	(erf) = vpow2.f32 v12;
	_ =	sdelay $0x1  }
0xec: {  	s4 =	sor.u32 $0x10, s2  }
0xed: {  	v56 =	vor.u32 s4, v1  }
0xee: {  	vm1 =	vlt.s32 v56, v9;
	_ =	sdelay $0x4  }
0xef: {  	v57 =	vpop (erf)  }
0xf0: {  	[tilespmem:v11+s0+$0x0] =	vst.idx.add.f32.msk vm1, v57  }
0xf1: {  	[tilespmem:v11+s1+$0x0] =	vst.idx.add.f32.msk vm1, v8  }
0xf2: {  	v10 =	vld.idx.msk [tilespmem:v10+s17+$0x0], $0xffff;
	_ =	sdelay $0x4  }
0xf3: {  	[tilespmem:v11+s5+$0x0] =	vst.idx.add.f32.msk vm1, v10  }
0xf4: {  	[tilespmem:$0x1B610] =	vst v57  }
0xf5: {  	v10 =	vld [tilespmem:s2+$0x1A520]  }
0xf6: {  	v11 =	vld [tilespmem:s2+$0x1ADA0];
	_ =	sdelay $0x6  }
0xf7: {  	v12 =	vld.idx.msk [tilespmem:v10+s15+$0x0], $0xffff  }
0xf8: {  	v58 =	vld.idx.msk [tilespmem:v11+s20+$0x0], $0xffff;
	_ =	sdelay $0x4  }
0xf9: {  	v12 =	vadd.f32 v58, v12;
	_ =	sdelay $0x1  }
0xfa: {  	v13 =	vmul.f32 $9.999999770e-03, v12;
	_ =	sdelay $0x1  }
0xfb: {  	v12 =	vmax.f32 v12, v13  }
0xfc: {  	v12 =	vmul.f32 $1.442695020e+00, v12;
	_ =	sdelay $0x1  }
0xfd: {  	(erf) = vpow2.f32 v12;
	_ =	sdelay $0x1  }
0xfe: {  	s21 =	sor.u32 $0x20, s2  }
0xff: {  	v59 =	vor.u32 s21, v1  }
0x100: {  	vm1 =	vlt.s32 v59, v9;
	_ =	sdelay $0x4  }
0x101: {  	v60 =	vpop (erf)  }
0x102: {  	[tilespmem:v11+s0+$0x0] =	vst.idx.add.f32.msk vm1, v60  }
0x103: {  	[tilespmem:v11+s1+$0x0] =	vst.idx.add.f32.msk vm1, v8  }
0x104: {  	v10 =	vld.idx.msk [tilespmem:v10+s17+$0x0], $0xffff;
	_ =	sdelay $0x4  }
0x105: {  	[tilespmem:v11+s5+$0x0] =	vst.idx.add.f32.msk vm1, v10  }
0x106: {  	[tilespmem:$0x1B620] =	vst v60  }
0x107: {  	v10 =	vld [tilespmem:s2+$0x1A530]  }
0x108: {  	v11 =	vld [tilespmem:s2+$0x1ADB0];
	_ =	sdelay $0x6  }
0x109: {  	v12 =	vld.idx.msk [tilespmem:v10+s15+$0x0], $0xffff  }
0x10a: {  	v61 =	vld.idx.msk [tilespmem:v11+s20+$0x0], $0xffff;
	_ =	sdelay $0x4  }
0x10b: {  	v12 =	vadd.f32 v61, v12;
	_ =	sdelay $0x1  }
0x10c: {  	v13 =	vmul.f32 $9.999999770e-03, v12;
	_ =	sdelay $0x1  }
0x10d: {  	v12 =	vmax.f32 v12, v13  }
0x10e: {  	v12 =	vmul.f32 $1.442695020e+00, v12;
	_ =	sdelay $0x1  }
0x10f: {  	(erf) = vpow2.f32 v12;
	_ =	sdelay $0x1  }
0x110: {  	s22 =	sor.u32 $0x30, s2  }
0x111: {  	v62 =	vor.u32 s22, v1  }
0x112: {  	vm1 =	vlt.s32 v62, v9;
	_ =	sdelay $0x4  }
0x113: {  	v63 =	vpop (erf)  }
0x114: {  	[tilespmem:v11+s0+$0x0] =	vst.idx.add.f32.msk vm1, v63  }
0x115: {  	[tilespmem:v11+s1+$0x0] =	vst.idx.add.f32.msk vm1, v8  }
0x116: {  	s2 =	ssub.s32 s14, s2;
	v10 =	vld.idx.msk [tilespmem:v10+s17+$0x0], $0xffff  }
0x117: {  	p0 =	slt.s32 s2, $0x1  }
.Ltmp11:
0x118: {  	_ = 	snop;
	(pc) =	sbr.rel @p0 .LBB2_16-.Ltmp11, $3  }
0x119: {  	_ =	sdelay $0x1  }
0x11a: {  	[tilespmem:v11+s5+$0x0] =	vst.idx.add.f32.msk vm1, v10  }
0x11b: {  	[tilespmem:$0x1B630] =	vst v63  }
0x11c: {  	v10 =	vld [tilespmem:s13+$0x0];
	_ =	sdelay $0x4  }
0x11d: {  	(v2sf) =	vpush v10, $0x0;
	_ =	sdelay $0xb  }
0x11e: {  	s2 =	sand.u32 $0xFFFFF800, s12;
	s4 =	sand.u32 $0x380, s12  }
0x11f: {  	s2 =	sor.u32 s4, s2  }
0x120: {  	s18 =	simm.s32 $0x1B600;
	v11 =	vld [tilespmem:s2+$0x1B680]  }
0x121: {  	v10 =	vld.msk [tilespmem:s18+$0x0 ss:$0x0], $0xffff;
	s21 =	spop (v2sf)  }
0x122: {  	s19 =	sshll.u32 s21, $0x7  }
0x123: {  	v12 =	vld [tilespmem:s19+$0x0];
	_ =	sdelay $0x2  }
0x124: {  	v11 =	vmul.f32 v11, v10;
	_ =	sdelay $0x1  }
0x125: {  	v11 =	vadd.f32 v11, v12;
	_ =	sdelay $0x1  }
0x126: {  	s2 =	sadd.s32 $0x1B680, s2;
	[tilespmem:s19+$0x0] =	vst v11;
	v11 =	vld [tilespmem:s19+$0xA000]  }
0x127: {  	v50 =	vld [tilespmem:s2+$0x400];
	_ =	sdelay $0x4  }
0x128: {  	v11 =	vmax.f32 v11, v50  }
0x129: {  	[tilespmem:s19+$0xA000] =	vst v11  }
0x12a: {  	v11 =	vld [tilespmem:s2+$0x10];
	_ =	sdelay $0x1  }
0x12b: {  	v51 =	vld [tilespmem:s19+$0x10];
	_ =	sdelay $0x2  }
0x12c: {  	v11 =	vmul.f32 v11, v10;
	_ =	sdelay $0x1  }
0x12d: {  	v11 =	vadd.f32 v11, v51;
	_ =	sdelay $0x1  }
0x12e: {  	[tilespmem:s19+$0x10] =	vst v11;
	v11 =	vld [tilespmem:s19+$0xA010]  }
0x12f: {  	v52 =	vld [tilespmem:s2+$0x410];
	_ =	sdelay $0x4  }
0x130: {  	v11 =	vmax.f32 v11, v52  }
0x131: {  	[tilespmem:s19+$0xA010] =	vst v11  }
0x132: {  	v11 =	vld [tilespmem:s2+$0x20];
	_ =	sdelay $0x1  }
0x133: {  	v53 =	vld [tilespmem:s19+$0x20];
	_ =	sdelay $0x2  }
0x134: {  	v11 =	vmul.f32 v11, v10;
	_ =	sdelay $0x1  }
0x135: {  	v11 =	vadd.f32 v11, v53;
	_ =	sdelay $0x1  }
0x136: {  	[tilespmem:s19+$0x20] =	vst v11;
	v11 =	vld [tilespmem:s19+$0xA020]  }
0x137: {  	v54 =	vld [tilespmem:s2+$0x420];
	_ =	sdelay $0x4  }
0x138: {  	v11 =	vmax.f32 v11, v54  }
0x139: {  	[tilespmem:s19+$0xA020] =	vst v11  }
0x13a: {  	v11 =	vld [tilespmem:s2+$0x30];
	_ =	sdelay $0x1  }
0x13b: {  	v55 =	vld [tilespmem:s19+$0x30];
	_ =	sdelay $0x2  }
0x13c: {  	v11 =	vmul.f32 v11, v10;
	_ =	sdelay $0x1  }
0x13d: {  	v11 =	vadd.f32 v11, v55;
	_ =	sdelay $0x1  }
0x13e: {  	[tilespmem:s19+$0x30] =	vst v11;
	v11 =	vld [tilespmem:s19+$0xA030]  }
0x13f: {  	v56 =	vld [tilespmem:s2+$0x430];
	_ =	sdelay $0x4  }
0x140: {  	v11 =	vmax.f32 v11, v56  }
0x141: {  	[tilespmem:s19+$0xA030] =	vst v11  }
0x142: {  	v11 =	vld [tilespmem:s2+$0x40];
	_ =	sdelay $0x1  }
0x143: {  	v57 =	vld [tilespmem:s19+$0x40];
	_ =	sdelay $0x2  }
0x144: {  	v11 =	vmul.f32 v11, v10;
	_ =	sdelay $0x1  }
0x145: {  	v11 =	vadd.f32 v11, v57;
	_ =	sdelay $0x1  }
0x146: {  	[tilespmem:s19+$0x40] =	vst v11;
	v11 =	vld [tilespmem:s19+$0xA040]  }
0x147: {  	v58 =	vld [tilespmem:s2+$0x440];
	_ =	sdelay $0x4  }
0x148: {  	v11 =	vmax.f32 v11, v58  }
0x149: {  	[tilespmem:s19+$0xA040] =	vst v11  }
0x14a: {  	v11 =	vld [tilespmem:s2+$0x50];
	_ =	sdelay $0x1  }
0x14b: {  	v59 =	vld [tilespmem:s19+$0x50];
	_ =	sdelay $0x2  }
0x14c: {  	v11 =	vmul.f32 v11, v10;
	_ =	sdelay $0x1  }
0x14d: {  	v11 =	vadd.f32 v11, v59;
	_ =	sdelay $0x1  }
0x14e: {  	[tilespmem:s19+$0x50] =	vst v11;
	v11 =	vld [tilespmem:s19+$0xA050]  }
0x14f: {  	v60 =	vld [tilespmem:s2+$0x450];
	_ =	sdelay $0x4  }
0x150: {  	v11 =	vmax.f32 v11, v60  }
0x151: {  	[tilespmem:s19+$0xA050] =	vst v11  }
0x152: {  	v11 =	vld [tilespmem:s2+$0x60];
	_ =	sdelay $0x1  }
0x153: {  	v61 =	vld [tilespmem:s19+$0x60];
	_ =	sdelay $0x2  }
0x154: {  	v11 =	vmul.f32 v11, v10;
	_ =	sdelay $0x1  }
0x155: {  	v11 =	vadd.f32 v11, v61;
	_ =	sdelay $0x1  }
0x156: {  	[tilespmem:s19+$0x60] =	vst v11;
	v11 =	vld [tilespmem:s19+$0xA060]  }
0x157: {  	v62 =	vld [tilespmem:s2+$0x460];
	_ =	sdelay $0x4  }
0x158: {  	v11 =	vmax.f32 v11, v62  }
0x159: {  	[tilespmem:s19+$0xA060] =	vst v11  }
0x15a: {  	v11 =	vld [tilespmem:s2+$0x70];
	_ =	sdelay $0x1  }
0x15b: {  	v63 =	vld [tilespmem:s19+$0x70];
	_ =	sdelay $0x2  }
0x15c: {  	v10 =	vmul.f32 v11, v10  }
0x15d: {  	p0 =	sgt.s32 s10, $0x1;
	s4 =	smov.u32 s10  }
0x15e: {  	s4 =	simm.s32 @!p0 $0x1;
	v10 =	vadd.f32 v10, v63  }
0x15f: {  	s22 =	smin.u32 s4, $0x40  }
0x160: {  	s6 =	sshll.u32 s22, $0x8;
	[tilespmem:s19+$0x70] =	vst v10;
	v10 =	vld [tilespmem:s19+$0xA070]  }
0x161: {  	p0 =	sne.s32 s6, $0x100;
	v11 =	vld [tilespmem:s2+$0x470]  }
.Ltmp12:
0x162: {  	_ = 	snop;
	(pc) =	sbr.rel @!p0 .LBB2_15-.Ltmp12, $2  }
0x163: {  	_ =	sdelay $0x2  }
0x164: {  	s22 =	simm.s32 $0x0;
	s21 =	sadd.s32 $0x1, s13;
	s2 =	simm.s32 $0x100;
	v10 =	vmax.f32 v10, v11  }
.LBB2_14:
0x165: {  	s22 =	sadd.s32 $0x80, s22  }
0x166: {  	[tilespmem:s19+$0xA070] =	vst v10;
	s18 =	sadd.s32 $0x1, s18;
	s4 =	smov.u32 s2;
	s2 =	sadd.s32 $0x100, s2  }
0x167: {  	v10 =	vld [tilespmem:s21+$0x0];
	p0 =	sne.s32 s6, s2;
	_ =	sdelay $0x4  }
0x168: {  	(v2sf) =	vpush v10, $0x0;
	_ =	sdelay $0xc  }
0x169: {  	s4 =	sand.u32 $0xFFFFF800, s4;
	s19 =	sand.u32 $0x380, s22  }
0x16a: {  	s4 =	sor.u32 s19, s4;
	v10 =	vld.msk [tilespmem:s18+$0x0 ss:$0x0], $0xffff  }
0x16b: {  	v11 =	vld [tilespmem:s4+$0x1B680];
	s19 =	spop (v2sf)  }
0x16c: {  	s19 =	sshll.u32 s19, $0x7  }
0x16d: {  	v12 =	vld [tilespmem:s19+$0x0];
	_ =	sdelay $0x2  }
0x16e: {  	v11 =	vmul.f32 v11, v10;
	_ =	sdelay $0x1  }
0x16f: {  	v11 =	vadd.f32 v11, v12;
	_ =	sdelay $0x1  }
0x170: {  	s4 =	sadd.s32 $0x1B680, s4;
	[tilespmem:s19+$0x0] =	vst v11;
	v11 =	vld [tilespmem:s19+$0xA000]  }
0x171: {  	v12 =	vld [tilespmem:s4+$0x400];
	_ =	sdelay $0x4  }
0x172: {  	v11 =	vmax.f32 v11, v12  }
0x173: {  	[tilespmem:s19+$0xA000] =	vst v11  }
0x174: {  	v11 =	vld [tilespmem:s4+$0x10];
	_ =	sdelay $0x1  }
0x175: {  	v12 =	vld [tilespmem:s19+$0x10];
	_ =	sdelay $0x2  }
0x176: {  	v11 =	vmul.f32 v11, v10;
	_ =	sdelay $0x1  }
0x177: {  	v11 =	vadd.f32 v11, v12;
	_ =	sdelay $0x1  }
0x178: {  	[tilespmem:s19+$0x10] =	vst v11;
	v11 =	vld [tilespmem:s19+$0xA010]  }
0x179: {  	v12 =	vld [tilespmem:s4+$0x410];
	_ =	sdelay $0x4  }
0x17a: {  	v11 =	vmax.f32 v11, v12  }
0x17b: {  	[tilespmem:s19+$0xA010] =	vst v11  }
0x17c: {  	v11 =	vld [tilespmem:s4+$0x20];
	_ =	sdelay $0x1  }
0x17d: {  	v12 =	vld [tilespmem:s19+$0x20];
	_ =	sdelay $0x2  }
0x17e: {  	v11 =	vmul.f32 v11, v10;
	_ =	sdelay $0x1  }
0x17f: {  	v11 =	vadd.f32 v11, v12;
	_ =	sdelay $0x1  }
0x180: {  	[tilespmem:s19+$0x20] =	vst v11;
	v11 =	vld [tilespmem:s19+$0xA020]  }
0x181: {  	v12 =	vld [tilespmem:s4+$0x420];
	_ =	sdelay $0x4  }
0x182: {  	v11 =	vmax.f32 v11, v12  }
0x183: {  	[tilespmem:s19+$0xA020] =	vst v11  }
0x184: {  	v11 =	vld [tilespmem:s4+$0x30];
	_ =	sdelay $0x1  }
0x185: {  	v12 =	vld [tilespmem:s19+$0x30];
	_ =	sdelay $0x2  }
0x186: {  	v11 =	vmul.f32 v11, v10;
	_ =	sdelay $0x1  }
0x187: {  	v11 =	vadd.f32 v11, v12;
	_ =	sdelay $0x1  }
0x188: {  	[tilespmem:s19+$0x30] =	vst v11;
	v11 =	vld [tilespmem:s19+$0xA030]  }
0x189: {  	v12 =	vld [tilespmem:s4+$0x430];
	_ =	sdelay $0x4  }
0x18a: {  	v11 =	vmax.f32 v11, v12  }
0x18b: {  	[tilespmem:s19+$0xA030] =	vst v11  }
0x18c: {  	v11 =	vld [tilespmem:s4+$0x40];
	_ =	sdelay $0x1  }
0x18d: {  	v12 =	vld [tilespmem:s19+$0x40];
	_ =	sdelay $0x2  }
0x18e: {  	v11 =	vmul.f32 v11, v10;
	_ =	sdelay $0x1  }
0x18f: {  	v11 =	vadd.f32 v11, v12;
	_ =	sdelay $0x1  }
0x190: {  	[tilespmem:s19+$0x40] =	vst v11;
	v11 =	vld [tilespmem:s19+$0xA040]  }
0x191: {  	v12 =	vld [tilespmem:s4+$0x440];
	_ =	sdelay $0x4  }
0x192: {  	v11 =	vmax.f32 v11, v12  }
0x193: {  	[tilespmem:s19+$0xA040] =	vst v11  }
0x194: {  	v11 =	vld [tilespmem:s4+$0x50];
	_ =	sdelay $0x1  }
0x195: {  	v12 =	vld [tilespmem:s19+$0x50];
	_ =	sdelay $0x2  }
0x196: {  	v11 =	vmul.f32 v11, v10;
	_ =	sdelay $0x1  }
0x197: {  	v11 =	vadd.f32 v11, v12;
	_ =	sdelay $0x1  }
0x198: {  	[tilespmem:s19+$0x50] =	vst v11;
	v11 =	vld [tilespmem:s19+$0xA050]  }
0x199: {  	v12 =	vld [tilespmem:s4+$0x450];
	_ =	sdelay $0x4  }
0x19a: {  	v11 =	vmax.f32 v11, v12  }
0x19b: {  	[tilespmem:s19+$0xA050] =	vst v11  }
0x19c: {  	v11 =	vld [tilespmem:s4+$0x60];
	_ =	sdelay $0x1  }
0x19d: {  	v12 =	vld [tilespmem:s19+$0x60];
	_ =	sdelay $0x2  }
0x19e: {  	v11 =	vmul.f32 v11, v10;
	_ =	sdelay $0x1  }
0x19f: {  	v11 =	vadd.f32 v11, v12;
	_ =	sdelay $0x1  }
0x1a0: {  	[tilespmem:s19+$0x60] =	vst v11;
	v11 =	vld [tilespmem:s19+$0xA060]  }
0x1a1: {  	v12 =	vld [tilespmem:s4+$0x460];
	_ =	sdelay $0x4  }
0x1a2: {  	v11 =	vmax.f32 v11, v12  }
0x1a3: {  	[tilespmem:s19+$0xA060] =	vst v11  }
0x1a4: {  	v11 =	vld [tilespmem:s4+$0x70];
	_ =	sdelay $0x1  }
0x1a5: {  	v12 =	vld [tilespmem:s19+$0x70];
	_ =	sdelay $0x2  }
0x1a6: {  	v10 =	vmul.f32 v11, v10;
	_ =	sdelay $0x1  }
0x1a7: {  	v10 =	vadd.f32 v10, v12;
	_ =	sdelay $0x1  }
0x1a8: {  	[tilespmem:s19+$0x70] =	vst v10;
	v10 =	vld [tilespmem:s19+$0xA070]  }
0x1a9: {  	v11 =	vld [tilespmem:s4+$0x470]  }
.Ltmp13:
0x1aa: {  	(pc) =	sbr.rel @p0 .LBB2_14-.Ltmp13, $2  }
0x1ab: {  	_ =	sdelay $0x2  }
0x1ac: {  	s21 =	sadd.s32 $0x1, s21;
	v10 =	vmax.f32 v10, v11  }
.Ltmp14:
0x1ad: {  	_ = 	snop;
	(pc) =	sbr.rel .LBB2_15-.Ltmp14, $1  }
0x1ae: {  	_ =	sdelay $0x3  }
.LBB2_19:
0x1af: {  	_ =	sfence.sel $0x180000  }
0x1b0: {  	[bflag:$0x0] =	sbarrier.arrive $0xFFFF  }
0x1b1: {  	_ =	strace $0x90000047  }
0x1b2: {  	s0 =	stileid.u32;
	[bflag:$0x2] =	sbarrier.arrive $0xFFFF  }
0x1b3: {  	p0 =	sne.s32 s0, $0x0;
	s0 =	rddreg [dreg:$0x2]  }
0x1b4: {  	s0 =	sadd.s32 @!p0 $0x100000, s0  }
0x1b5: {  	[sflag:s0] =	ssyncadd.tile.s32 @!p0 $0x1;
	_ =	shalt  }
.Lfunc_end2:
_tile_overlayer_lowered:
.L_overlay_start_2:
0x1b6: {  	(tag) =	ssettag $0x2  }
0x1b7: {  	s0 =	rddreg [dreg:$0x0];
	s2 =	stileid.u32  }
0x1b8: {  	s1 =	rddreg [dreg:$0x1];
	p0 =	sne.s32 s2, $0x0  }
0x1b9: {  	s3 =	rddreg [dreg:$0x2];
	[bflag:$0x3] =	sbarrier.arrive $0xFFFF;
	s2 =	simm.s32 @!p0 $0x1C01  }
0x1ba: {  	[timem:s3], [sflag:s2] =	dma.local @!p0 [hbm:s0], s1  }
0x1bb: {  	s0 =	simm.s32 @!p0 $0x1  }
0x1bc: {  	_ =	swait.ge @!p0 [sflag:s0], s1  }
0x1bd: {  	s1 =	ssub.s32 @!p0 $0x0, s1;
	[sflag:s0] =	ssyncset.done @!p0 $0x0  }
0x1be: {  	[sflag:s0] =	ssyncadd.s32 @!p0 s1  }
0x1bf: {  	[bflag:$0x3] =	sbarrier.arrive $0xFFFF  }
0x1c0: {  	_ =	shalt  }

</sc_bundles>
